<compile_context>
chip_gen: v7x
topology: tpu7x:2x2x1
jax: 0.10.2.dev20260603
libtpu: 0.0.44.dev20260713+nightly
codegen_flags: <defaults>
</compile_context>

<pallas_src>
import functools

import jax
import jax.numpy as jnp
from jax import lax
from jax.experimental import pallas as pl
from jax.experimental.pallas import tpu as pltpu
from jax.experimental.pallas import tpu_sc as plsc

_NUM_CORES = 2
_NUM_SUBCORES = 16
_NW = _NUM_CORES * _NUM_SUBCORES
_CHUNK = 16
_NBUF = 6


@functools.lru_cache(maxsize=None)
def _build_gather(batch, seq, D):
    B = batch * seq
    b_per_w = B // _NW
    n_chunks = b_per_w // _CHUNK
    segs_per_row = seq // b_per_w
    assert b_per_w % _CHUNK == 0 and seq % b_per_w == 0
    assert n_chunks >= 2 * _NBUF
    mesh = plsc.VectorSubcoreMesh(core_axis_name="c", subcore_axis_name="s")

    @functools.partial(
        pl.kernel,
        mesh=mesh,
        out_type=jax.ShapeDtypeStruct((B, D), jnp.float32),
        scratch_types=[
            pltpu.VMEM((b_per_w,), jnp.int32),
            *[pltpu.VMEM((_CHUNK, D), jnp.float32) for _ in range(_NBUF)],
            *[pltpu.SemaphoreType.DMA for _ in range(2 * _NBUF)],
        ],
    )
    def gather_kernel(table_hbm, idx_hbm, out_hbm, idx_v, *rest):
        bufs = rest[:_NBUF]
        gsem = rest[_NBUF:2 * _NBUF]
        wsem = rest[2 * _NBUF:]
        wid = lax.axis_index("s") * _NUM_CORES + lax.axis_index("c")
        base = wid * b_per_w
        pltpu.sync_copy(
            idx_hbm.at[
                wid // segs_per_row,
                pl.ds((wid % segs_per_row) * b_per_w, b_per_w),
            ],
            idx_v,
        )

        def gather_start(b, c):
            pltpu.async_copy(
                table_hbm.at[idx_v.at[pl.ds(c * _CHUNK, _CHUNK)]], bufs[b], gsem[b]
            )

        def gather_wait(b, c):
            pltpu.make_async_copy(
                table_hbm.at[idx_v.at[pl.ds(c * _CHUNK, _CHUNK)]], bufs[b], gsem[b]
            ).wait()

        def write_start(b, c):
            pltpu.async_copy(
                bufs[b], out_hbm.at[pl.ds(base + c * _CHUNK, _CHUNK)], wsem[b]
            )

        def write_wait(b, c):
            pltpu.make_async_copy(
                bufs[b], out_hbm.at[pl.ds(base + c * _CHUNK, _CHUNK)], wsem[b]
            ).wait()

        def body(b, c, first=False):
            gather_wait(b, c)
            write_start(b, c)
            b3 = (b + _NBUF - 1) % _NBUF
            if not first:
                write_wait(b3, c - 1)
            gather_start(b3, c + _NBUF - 1)

        for b in range(_NBUF - 1):
            gather_start(b, b)

        for c0 in range(_NBUF):
            body(c0 % _NBUF, c0, first=(c0 == 0))

        n_main = (n_chunks - 2 * _NBUF + 1) // _NBUF

        def group(g, carry):
            for j in range(_NBUF):
                c = _NBUF + g * _NBUF + j
                body(j % _NBUF, c)
            return carry

        lax.fori_loop(0, n_main, group, 0)

        for c0 in range(_NBUF + n_main * _NBUF, n_chunks - _NBUF + 1):
            body(c0 % _NBUF, c0)
        for c0 in range(n_chunks - _NBUF + 1, n_chunks):
            gather_wait(c0 % _NBUF, c0)
            write_start(c0 % _NBUF, c0)
        for c0 in range(n_chunks - _NBUF, n_chunks):
            write_wait(c0 % _NBUF, c0)

    return gather_kernel


def kernel(input_ids, weight):
    batch, seq = input_ids.shape
    D = weight.shape[1]
    if input_ids.dtype != jnp.int32:
        input_ids = input_ids.astype(jnp.int32)
    out = _build_gather(batch, seq, D)(weight.astype(jnp.float32), input_ids)
    return out.reshape(batch, seq, D)

# --- scband reference (transcript-rebuilt; emitter-appended) ---
"""Pipeline reference for scband-embedding-with-weight-tying-17927193493865 (READ-ONLY COPY).

The authoritative reference and input builder live on the scoring server;
editing this copy changes nothing except your own understanding.
"""

import jax, jax.numpy as jnp
import numpy as np

VOCAB_SIZE = 100000
HIDDEN_SIZE = 1024
BATCH = 4
SEQ_LEN = 8192

def setup_inputs(seed: int = 0) -> dict:
    key = jax.random.key(seed)
    k_ids, k_w = jax.random.split(key)
    input_ids = jax.random.randint(k_ids, (BATCH, SEQ_LEN), 0, VOCAB_SIZE, dtype=jnp.int64 if jax.config.jax_enable_x64 else jnp.int32)
    weight = jax.random.normal(k_w, (VOCAB_SIZE, HIDDEN_SIZE), dtype=jnp.float32) * 0.02
    return {"input_ids": input_ids, "weight": weight}

def reference(input_ids, weight):
    # F.embedding(input_ids, weight) -> gather rows of the embedding table
    return jnp.take(weight, input_ids, axis=0)

if __name__ == "__main__":
    import jax
    _d = setup_inputs()
    print(jax.jit(kernel)(*tuple(_d.values())))

</pallas_src>

<mosaic_0001>
#map = affine_map<(d0, d1) -> (0, 0)>
module attributes {stable_mosaic.version = 14 : i64} {
  func.func @gather_kernel(%arg0: i32, %arg1: i32, %arg2: memref<100000x1024xf32, #tpu.memory_space<hbm>>, %arg3: memref<4x8192xi32, #tpu.memory_space<hbm>>, %arg4: memref<32768x1024xf32, #tpu.memory_space<hbm>>, %arg5: memref<1024xi32, #tpu.memory_space<vmem>>, %arg6: memref<16x1024xf32, #tpu.memory_space<vmem>>, %arg7: memref<16x1024xf32, #tpu.memory_space<vmem>>, %arg8: memref<16x1024xf32, #tpu.memory_space<vmem>>, %arg9: memref<16x1024xf32, #tpu.memory_space<vmem>>, %arg10: memref<16x1024xf32, #tpu.memory_space<vmem>>, %arg11: memref<16x1024xf32, #tpu.memory_space<vmem>>, %arg12: memref<!tpu.dma_semaphore, #tpu.memory_space<semaphore_mem>>, %arg13: memref<!tpu.dma_semaphore, #tpu.memory_space<semaphore_mem>>, %arg14: memref<!tpu.dma_semaphore, #tpu.memory_space<semaphore_mem>>, %arg15: memref<!tpu.dma_semaphore, #tpu.memory_space<semaphore_mem>>, %arg16: memref<!tpu.dma_semaphore, #tpu.memory_space<semaphore_mem>>, %arg17: memref<!tpu.dma_semaphore, #tpu.memory_space<semaphore_mem>>, %arg18: memref<!tpu.dma_semaphore, #tpu.memory_space<semaphore_mem>>, %arg19: memref<!tpu.dma_semaphore, #tpu.memory_space<semaphore_mem>>, %arg20: memref<!tpu.dma_semaphore, #tpu.memory_space<semaphore_mem>>, %arg21: memref<!tpu.dma_semaphore, #tpu.memory_space<semaphore_mem>>, %arg22: memref<!tpu.dma_semaphore, #tpu.memory_space<semaphore_mem>>, %arg23: memref<!tpu.dma_semaphore, #tpu.memory_space<semaphore_mem>>) attributes {dimension_semantics = [#tpu.dimension_semantics<core_parallel>, #tpu.dimension_semantics<subcore_parallel>], iteration_bounds = array<i64: 2, 16>, scalar_prefetch = 0 : i64, scratch_operands = 19 : i64, tpu.core_type = #tpu.core_type<sc_vector_subcore>, window_params = [{transform_indices = #map}, {transform_indices = #map}, {transform_indices = #map}]} {
    %mul3A = arith.constant 2 : i32
    %mul3A_0 = arith.muli %arg1, %mul3A : i32
    %add3A = arith.addi %mul3A_0, %arg0 : i32
    %mul3A_1 = arith.constant 1024 : i32
    %mul3A_2 = arith.muli %add3A, %mul3A_1 : i32
    %jit3A = arith.constant 8 : i32
    %div3A = arith.divsi %add3A, %jit3A : i32
    %sign3A = arith.constant 0 : i32
    %sign3A_3 = arith.cmpi sgt, %add3A, %sign3A : i32
    %sign3A_4 = arith.extui %sign3A_3 : i1 to i32
    %sign3A_5 = arith.constant 0 : i32
    %sign3A_6 = arith.cmpi slt, %add3A, %sign3A_5 : i32
    %sign3A_7 = arith.extui %sign3A_6 : i1 to i32
    %sign3A_8 = arith.subi %sign3A_4, %sign3A_7 : i32
    %sign3A_9 = arith.constant 0 : i32
    %sign3A_10 = arith.cmpi sgt, %jit3A, %sign3A_9 : i32
    %sign3A_11 = arith.extui %sign3A_10 : i1 to i32
    %sign3A_12 = arith.constant 0 : i32
    %sign3A_13 = arith.cmpi slt, %jit3A, %sign3A_12 : i32
    %sign3A_14 = arith.extui %sign3A_13 : i1 to i32
    %sign3A_15 = arith.subi %sign3A_11, %sign3A_14 : i32
    %ne3A = arith.cmpi ne, %sign3A_8, %sign3A_15 : i32
    %rem3A = arith.remsi %add3A, %jit3A : i32
    %ne3A_16 = arith.constant 0 : i32
    %ne3A_17 = arith.cmpi ne, %rem3A, %ne3A_16 : i32
    %and3A = arith.andi %ne3A, %ne3A_17 : i1
    %sub3A = arith.constant 1 : i32
    %sub3A_18 = arith.subi %div3A, %sub3A : i32
    %select_n3A = arith.select %and3A, %sub3A_18, %div3A : i32
    %jit3A_19 = arith.constant 8 : i32
    %eq3A = arith.constant 0 : i32
    %eq3A_20 = arith.cmpi eq, %jit3A_19, %eq3A : i32
    %jit3A_21 = arith.constant 1 : i32
    %select_n3A_22 = arith.select %eq3A_20, %jit3A_21, %jit3A_19 : i32
    %rem3A_23 = arith.remsi %add3A, %select_n3A_22 : i32
    %ne3A_24 = arith.constant 0 : i32
    %ne3A_25 = arith.cmpi ne, %rem3A_23, %ne3A_24 : i32
    %lt3A = arith.constant 0 : i32
    %lt3A_26 = arith.cmpi slt, %rem3A_23, %lt3A : i32
    %lt3A_27 = arith.constant 0 : i32
    %lt3A_28 = arith.cmpi slt, %select_n3A_22, %lt3A_27 : i32
    %ne3A_29 = arith.xori %lt3A_26, %lt3A_28 : i1
    %and3A_30 = arith.andi %ne3A_29, %ne3A_25 : i1
    %add3A_31 = arith.addi %rem3A_23, %select_n3A_22 : i32
    %select_n3A_32 = arith.select %and3A_30, %add3A_31, %rem3A_23 : i32
    %mul3A_33 = arith.constant 1024 : i32
    %mul3A_34 = arith.muli %select_n3A_32, %mul3A_33 : i32
    "tpu.region"() ({
      %run_scoped3A = tpu.sem_alloc : memref<!tpu.dma_semaphore, #tpu.memory_space<semaphore_mem>>
      %dma_start3A_390 = tpu.memref_slice %arg3[%select_n3A, %mul3A_34] : memref<4x8192xi32, #tpu.memory_space<hbm>> -> memref<1x1024xi32, #tpu.memory_space<hbm>>
      %dma_start3A_391 = tpu.memref_squeeze %dma_start3A_390 : memref<1x1024xi32, #tpu.memory_space<hbm>> -> memref<1024xi32, #tpu.memory_space<hbm>>
      %dma_start3A_392 = tpu.memref_slice %arg3[%select_n3A, %mul3A_34] : memref<4x8192xi32, #tpu.memory_space<hbm>> -> memref<1x1024xi32, #tpu.memory_space<hbm>>
      %dma_start3A_393 = tpu.memref_squeeze %dma_start3A_392 : memref<1x1024xi32, #tpu.memory_space<hbm>> -> memref<1024xi32, #tpu.memory_space<hbm>>
      tpu.enqueue_dma source(%dma_start3A_393 : memref<1024xi32, #tpu.memory_space<hbm>>) target(%arg5 : memref<1024xi32, #tpu.memory_space<vmem>>) target_semaphore(%run_scoped3A : memref<!tpu.dma_semaphore, #tpu.memory_space<semaphore_mem>>)
      %dma_wait3A_394 = tpu.memref_slice %arg3[%select_n3A, %mul3A_34] : memref<4x8192xi32, #tpu.memory_space<hbm>> -> memref<1x1024xi32, #tpu.memory_space<hbm>>
      %dma_wait3A_395 = tpu.memref_squeeze %dma_wait3A_394 : memref<1x1024xi32, #tpu.memory_space<hbm>> -> memref<1024xi32, #tpu.memory_space<hbm>>
      %dma_wait3A_396 = tpu.memref_slice %arg3[%select_n3A, %mul3A_34] : memref<4x8192xi32, #tpu.memory_space<hbm>> -> memref<1x1024xi32, #tpu.memory_space<hbm>>
      %dma_wait3A_397 = tpu.memref_squeeze %dma_wait3A_396 : memref<1x1024xi32, #tpu.memory_space<hbm>> -> memref<1024xi32, #tpu.memory_space<hbm>>
      tpu.wait_dma2 semaphore(%run_scoped3A : memref<!tpu.dma_semaphore, #tpu.memory_space<semaphore_mem>>) src(%dma_wait3A_397 : memref<1024xi32, #tpu.memory_space<hbm>>) dst(%arg5 : memref<1024xi32, #tpu.memory_space<vmem>>)
      tpu.yield
    }) : () -> ()
    %dma_start3A = arith.constant 0 : i32
    %dma_start3A_35 = tpu.memref_slice %arg5[%dma_start3A] : memref<1024xi32, #tpu.memory_space<vmem>> -> memref<16xi32, #tpu.memory_space<vmem>>
    %dma_start3A_36 = arith.constant 0 : i32
    %dma_start3A_37 = arith.constant 0 : i32
    %dma_start3A_38 = tpu.memref_slice %arg2[%dma_start3A_36, %dma_start3A_37] : memref<100000x1024xf32, #tpu.memory_space<hbm>> -> memref<100000x1024xf32, #tpu.memory_space<hbm>>
    tpu.enqueue_indirect_dma source(%dma_start3A_38 : memref<100000x1024xf32, #tpu.memory_space<hbm>>) target(%arg6 : memref<16x1024xf32, #tpu.memory_space<vmem>>) offsets(%dma_start3A_35 : memref<16xi32, #tpu.memory_space<vmem>>) semaphore(%arg12 : memref<!tpu.dma_semaphore, #tpu.memory_space<semaphore_mem>>)
    %dma_start3A_39 = arith.constant 16 : i32
    %dma_start3A_40 = tpu.memref_slice %arg5[%dma_start3A_39] : memref<1024xi32, #tpu.memory_space<vmem>> -> memref<16xi32, #tpu.memory_space<vmem>>
    %dma_start3A_41 = arith.constant 0 : i32
    %dma_start3A_42 = arith.constant 0 : i32
    %dma_start3A_43 = tpu.memref_slice %arg2[%dma_start3A_41, %dma_start3A_42] : memref<100000x1024xf32, #tpu.memory_space<hbm>> -> memref<100000x1024xf32, #tpu.memory_space<hbm>>
    tpu.enqueue_indirect_dma source(%dma_start3A_43 : memref<100000x1024xf32, #tpu.memory_space<hbm>>) target(%arg7 : memref<16x1024xf32, #tpu.memory_space<vmem>>) offsets(%dma_start3A_40 : memref<16xi32, #tpu.memory_space<vmem>>) semaphore(%arg13 : memref<!tpu.dma_semaphore, #tpu.memory_space<semaphore_mem>>)
    %dma_start3A_44 = arith.constant 32 : i32
    %dma_start3A_45 = tpu.memref_slice %arg5[%dma_start3A_44] : memref<1024xi32, #tpu.memory_space<vmem>> -> memref<16xi32, #tpu.memory_space<vmem>>
    %dma_start3A_46 = arith.constant 0 : i32
    %dma_start3A_47 = arith.constant 0 : i32
    %dma_start3A_48 = tpu.memref_slice %arg2[%dma_start3A_46, %dma_start3A_47] : memref<100000x1024xf32, #tpu.memory_space<hbm>> -> memref<100000x1024xf32, #tpu.memory_space<hbm>>
    tpu.enqueue_indirect_dma source(%dma_start3A_48 : memref<100000x1024xf32, #tpu.memory_space<hbm>>) target(%arg8 : memref<16x1024xf32, #tpu.memory_space<vmem>>) offsets(%dma_start3A_45 : memref<16xi32, #tpu.memory_space<vmem>>) semaphore(%arg14 : memref<!tpu.dma_semaphore, #tpu.memory_space<semaphore_mem>>)
    %dma_start3A_49 = arith.constant 48 : i32
    %dma_start3A_50 = tpu.memref_slice %arg5[%dma_start3A_49] : memref<1024xi32, #tpu.memory_space<vmem>> -> memref<16xi32, #tpu.memory_space<vmem>>
    %dma_start3A_51 = arith.constant 0 : i32
    %dma_start3A_52 = arith.constant 0 : i32
    %dma_start3A_53 = tpu.memref_slice %arg2[%dma_start3A_51, %dma_start3A_52] : memref<100000x1024xf32, #tpu.memory_space<hbm>> -> memref<100000x1024xf32, #tpu.memory_space<hbm>>
    tpu.enqueue_indirect_dma source(%dma_start3A_53 : memref<100000x1024xf32, #tpu.memory_space<hbm>>) target(%arg9 : memref<16x1024xf32, #tpu.memory_space<vmem>>) offsets(%dma_start3A_50 : memref<16xi32, #tpu.memory_space<vmem>>) semaphore(%arg15 : memref<!tpu.dma_semaphore, #tpu.memory_space<semaphore_mem>>)
    %dma_start3A_54 = arith.constant 64 : i32
    %dma_start3A_55 = tpu.memref_slice %arg5[%dma_start3A_54] : memref<1024xi32, #tpu.memory_space<vmem>> -> memref<16xi32, #tpu.memory_space<vmem>>
    %dma_start3A_56 = arith.constant 0 : i32
    %dma_start3A_57 = arith.constant 0 : i32
    %dma_start3A_58 = tpu.memref_slice %arg2[%dma_start3A_56, %dma_start3A_57] : memref<100000x1024xf32, #tpu.memory_space<hbm>> -> memref<100000x1024xf32, #tpu.memory_space<hbm>>
    tpu.enqueue_indirect_dma source(%dma_start3A_58 : memref<100000x1024xf32, #tpu.memory_space<hbm>>) target(%arg10 : memref<16x1024xf32, #tpu.memory_space<vmem>>) offsets(%dma_start3A_55 : memref<16xi32, #tpu.memory_space<vmem>>) semaphore(%arg16 : memref<!tpu.dma_semaphore, #tpu.memory_space<semaphore_mem>>)
    %dma_wait3A = arith.constant 0 : i32
    %dma_wait3A_59 = tpu.memref_slice %arg5[%dma_wait3A] : memref<1024xi32, #tpu.memory_space<vmem>> -> memref<16xi32, #tpu.memory_space<vmem>>
    %dma_wait3A_60 = arith.constant 0 : i32
    %dma_wait3A_61 = arith.constant 0 : i32
    %dma_wait3A_62 = tpu.memref_slice %arg2[%dma_wait3A_60, %dma_wait3A_61] : memref<100000x1024xf32, #tpu.memory_space<hbm>> -> memref<100000x1024xf32, #tpu.memory_space<hbm>>
    tpu.wait_indirect_dma semaphore(%arg12 : memref<!tpu.dma_semaphore, #tpu.memory_space<semaphore_mem>>) src(%dma_wait3A_62 : memref<100000x1024xf32, #tpu.memory_space<hbm>>) dst(%arg6 : memref<16x1024xf32, #tpu.memory_space<vmem>>)
    %add3A_63 = arith.constant 0 : i32
    %add3A_64 = arith.addi %mul3A_2, %add3A_63 : i32
    %dma_start3A_65 = arith.constant 0 : i32
    %dma_start3A_66 = tpu.memref_slice %arg4[%add3A_64, %dma_start3A_65] : memref<32768x1024xf32, #tpu.memory_space<hbm>> -> memref<16x1024xf32, #tpu.memory_space<hbm>>
    %dma_start3A_67 = arith.constant 0 : i32
    %dma_start3A_68 = tpu.memref_slice %arg4[%add3A_64, %dma_start3A_67] : memref<32768x1024xf32, #tpu.memory_space<hbm>> -> memref<16x1024xf32, #tpu.memory_space<hbm>>
    tpu.enqueue_dma source(%arg6 : memref<16x1024xf32, #tpu.memory_space<vmem>>) target(%dma_start3A_68 : memref<16x1024xf32, #tpu.memory_space<hbm>>) target_semaphore(%arg18 : memref<!tpu.dma_semaphore, #tpu.memory_space<semaphore_mem>>)
    %dma_start3A_69 = arith.constant 80 : i32
    %dma_start3A_70 = tpu.memref_slice %arg5[%dma_start3A_69] : memref<1024xi32, #tpu.memory_space<vmem>> -> memref<16xi32, #tpu.memory_space<vmem>>
    %dma_start3A_71 = arith.constant 0 : i32
    %dma_start3A_72 = arith.constant 0 : i32
    %dma_start3A_73 = tpu.memref_slice %arg2[%dma_start3A_71, %dma_start3A_72] : memref<100000x1024xf32, #tpu.memory_space<hbm>> -> memref<100000x1024xf32, #tpu.memory_space<hbm>>
    tpu.enqueue_indirect_dma source(%dma_start3A_73 : memref<100000x1024xf32, #tpu.memory_space<hbm>>) target(%arg11 : memref<16x1024xf32, #tpu.memory_space<vmem>>) offsets(%dma_start3A_70 : memref<16xi32, #tpu.memory_space<vmem>>) semaphore(%arg17 : memref<!tpu.dma_semaphore, #tpu.memory_space<semaphore_mem>>)
    %dma_wait3A_74 = arith.constant 16 : i32
    %dma_wait3A_75 = tpu.memref_slice %arg5[%dma_wait3A_74] : memref<1024xi32, #tpu.memory_space<vmem>> -> memref<16xi32, #tpu.memory_space<vmem>>
    %dma_wait3A_76 = arith.constant 0 : i32
    %dma_wait3A_77 = arith.constant 0 : i32
    %dma_wait3A_78 = tpu.memref_slice %arg2[%dma_wait3A_76, %dma_wait3A_77] : memref<100000x1024xf32, #tpu.memory_space<hbm>> -> memref<100000x1024xf32, #tpu.memory_space<hbm>>
    tpu.wait_indirect_dma semaphore(%arg13 : memref<!tpu.dma_semaphore, #tpu.memory_space<semaphore_mem>>) src(%dma_wait3A_78 : memref<100000x1024xf32, #tpu.memory_space<hbm>>) dst(%arg7 : memref<16x1024xf32, #tpu.memory_space<vmem>>)
    %add3A_79 = arith.constant 16 : i32
    %add3A_80 = arith.addi %mul3A_2, %add3A_79 : i32
    %dma_start3A_81 = arith.constant 0 : i32
    %dma_start3A_82 = tpu.memref_slice %arg4[%add3A_80, %dma_start3A_81] : memref<32768x1024xf32, #tpu.memory_space<hbm>> -> memref<16x1024xf32, #tpu.memory_space<hbm>>
    %dma_start3A_83 = arith.constant 0 : i32
    %dma_start3A_84 = tpu.memref_slice %arg4[%add3A_80, %dma_start3A_83] : memref<32768x1024xf32, #tpu.memory_space<hbm>> -> memref<16x1024xf32, #tpu.memory_space<hbm>>
    tpu.enqueue_dma source(%arg7 : memref<16x1024xf32, #tpu.memory_space<vmem>>) target(%dma_start3A_84 : memref<16x1024xf32, #tpu.memory_space<hbm>>) target_semaphore(%arg19 : memref<!tpu.dma_semaphore, #tpu.memory_space<semaphore_mem>>)
    %add3A_85 = arith.constant 0 : i32
    %add3A_86 = arith.addi %mul3A_2, %add3A_85 : i32
    %dma_wait3A_87 = arith.constant 0 : i32
    %dma_wait3A_88 = tpu.memref_slice %arg4[%add3A_86, %dma_wait3A_87] : memref<32768x1024xf32, #tpu.memory_space<hbm>> -> memref<16x1024xf32, #tpu.memory_space<hbm>>
    %dma_wait3A_89 = arith.constant 0 : i32
    %dma_wait3A_90 = tpu.memref_slice %arg4[%add3A_86, %dma_wait3A_89] : memref<32768x1024xf32, #tpu.memory_space<hbm>> -> memref<16x1024xf32, #tpu.memory_space<hbm>>
    tpu.wait_dma2 semaphore(%arg18 : memref<!tpu.dma_semaphore, #tpu.memory_space<semaphore_mem>>) src(%arg6 : memref<16x1024xf32, #tpu.memory_space<vmem>>) dst(%dma_wait3A_90 : memref<16x1024xf32, #tpu.memory_space<hbm>>)
    %dma_start3A_91 = arith.constant 96 : i32
    %dma_start3A_92 = tpu.memref_slice %arg5[%dma_start3A_91] : memref<1024xi32, #tpu.memory_space<vmem>> -> memref<16xi32, #tpu.memory_space<vmem>>
    %dma_start3A_93 = arith.constant 0 : i32
    %dma_start3A_94 = arith.constant 0 : i32
    %dma_start3A_95 = tpu.memref_slice %arg2[%dma_start3A_93, %dma_start3A_94] : memref<100000x1024xf32, #tpu.memory_space<hbm>> -> memref<100000x1024xf32, #tpu.memory_space<hbm>>
    tpu.enqueue_indirect_dma source(%dma_start3A_95 : memref<100000x1024xf32, #tpu.memory_space<hbm>>) target(%arg6 : memref<16x1024xf32, #tpu.memory_space<vmem>>) offsets(%dma_start3A_92 : memref<16xi32, #tpu.memory_space<vmem>>) semaphore(%arg12 : memref<!tpu.dma_semaphore, #tpu.memory_space<semaphore_mem>>)
    %dma_wait3A_96 = arith.constant 32 : i32
    %dma_wait3A_97 = tpu.memref_slice %arg5[%dma_wait3A_96] : memref<1024xi32, #tpu.memory_space<vmem>> -> memref<16xi32, #tpu.memory_space<vmem>>
    %dma_wait3A_98 = arith.constant 0 : i32
    %dma_wait3A_99 = arith.constant 0 : i32
    %dma_wait3A_100 = tpu.memref_slice %arg2[%dma_wait3A_98, %dma_wait3A_99] : memref<100000x1024xf32, #tpu.memory_space<hbm>> -> memref<100000x1024xf32, #tpu.memory_space<hbm>>
    tpu.wait_indirect_dma semaphore(%arg14 : memref<!tpu.dma_semaphore, #tpu.memory_space<semaphore_mem>>) src(%dma_wait3A_100 : memref<100000x1024xf32, #tpu.memory_space<hbm>>) dst(%arg8 : memref<16x1024xf32, #tpu.memory_space<vmem>>)
    %add3A_101 = arith.constant 32 : i32
    %add3A_102 = arith.addi %mul3A_2, %add3A_101 : i32
    %dma_start3A_103 = arith.constant 0 : i32
    %dma_start3A_104 = tpu.memref_slice %arg4[%add3A_102, %dma_start3A_103] : memref<32768x1024xf32, #tpu.memory_space<hbm>> -> memref<16x1024xf32, #tpu.memory_space<hbm>>
    %dma_start3A_105 = arith.constant 0 : i32
    %dma_start3A_106 = tpu.memref_slice %arg4[%add3A_102, %dma_start3A_105] : memref<32768x1024xf32, #tpu.memory_space<hbm>> -> memref<16x1024xf32, #tpu.memory_space<hbm>>
    tpu.enqueue_dma source(%arg8 : memref<16x1024xf32, #tpu.memory_space<vmem>>) target(%dma_start3A_106 : memref<16x1024xf32, #tpu.memory_space<hbm>>) target_semaphore(%arg20 : memref<!tpu.dma_semaphore, #tpu.memory_space<semaphore_mem>>)
    %add3A_107 = arith.constant 16 : i32
    %add3A_108 = arith.addi %mul3A_2, %add3A_107 : i32
    %dma_wait3A_109 = arith.constant 0 : i32
    %dma_wait3A_110 = tpu.memref_slice %arg4[%add3A_108, %dma_wait3A_109] : memref<32768x1024xf32, #tpu.memory_space<hbm>> -> memref<16x1024xf32, #tpu.memory_space<hbm>>
    %dma_wait3A_111 = arith.constant 0 : i32
    %dma_wait3A_112 = tpu.memref_slice %arg4[%add3A_108, %dma_wait3A_111] : memref<32768x1024xf32, #tpu.memory_space<hbm>> -> memref<16x1024xf32, #tpu.memory_space<hbm>>
    tpu.wait_dma2 semaphore(%arg19 : memref<!tpu.dma_semaphore, #tpu.memory_space<semaphore_mem>>) src(%arg7 : memref<16x1024xf32, #tpu.memory_space<vmem>>) dst(%dma_wait3A_112 : memref<16x1024xf32, #tpu.memory_space<hbm>>)
    %dma_start3A_113 = arith.constant 112 : i32
    %dma_start3A_114 = tpu.memref_slice %arg5[%dma_start3A_113] : memref<1024xi32, #tpu.memory_space<vmem>> -> memref<16xi32, #tpu.memory_space<vmem>>
    %dma_start3A_115 = arith.constant 0 : i32
    %dma_start3A_116 = arith.constant 0 : i32
    %dma_start3A_117 = tpu.memref_slice %arg2[%dma_start3A_115, %dma_start3A_116] : memref<100000x1024xf32, #tpu.memory_space<hbm>> -> memref<100000x1024xf32, #tpu.memory_space<hbm>>
    tpu.enqueue_indirect_dma source(%dma_start3A_117 : memref<100000x1024xf32, #tpu.memory_space<hbm>>) target(%arg7 : memref<16x1024xf32, #tpu.memory_space<vmem>>) offsets(%dma_start3A_114 : memref<16xi32, #tpu.memory_space<vmem>>) semaphore(%arg13 : memref<!tpu.dma_semaphore, #tpu.memory_space<semaphore_mem>>)
    %dma_wait3A_118 = arith.constant 48 : i32
    %dma_wait3A_119 = tpu.memref_slice %arg5[%dma_wait3A_118] : memref<1024xi32, #tpu.memory_space<vmem>> -> memref<16xi32, #tpu.memory_space<vmem>>
    %dma_wait3A_120 = arith.constant 0 : i32
    %dma_wait3A_121 = arith.constant 0 : i32
    %dma_wait3A_122 = tpu.memref_slice %arg2[%dma_wait3A_120, %dma_wait3A_121] : memref<100000x1024xf32, #tpu.memory_space<hbm>> -> memref<100000x1024xf32, #tpu.memory_space<hbm>>
    tpu.wait_indirect_dma semaphore(%arg15 : memref<!tpu.dma_semaphore, #tpu.memory_space<semaphore_mem>>) src(%dma_wait3A_122 : memref<100000x1024xf32, #tpu.memory_space<hbm>>) dst(%arg9 : memref<16x1024xf32, #tpu.memory_space<vmem>>)
    %add3A_123 = arith.constant 48 : i32
    %add3A_124 = arith.addi %mul3A_2, %add3A_123 : i32
    %dma_start3A_125 = arith.constant 0 : i32
    %dma_start3A_126 = tpu.memref_slice %arg4[%add3A_124, %dma_start3A_125] : memref<32768x1024xf32, #tpu.memory_space<hbm>> -> memref<16x1024xf32, #tpu.memory_space<hbm>>
    %dma_start3A_127 = arith.constant 0 : i32
    %dma_start3A_128 = tpu.memref_slice %arg4[%add3A_124, %dma_start3A_127] : memref<32768x1024xf32, #tpu.memory_space<hbm>> -> memref<16x1024xf32, #tpu.memory_space<hbm>>
    tpu.enqueue_dma source(%arg9 : memref<16x1024xf32, #tpu.memory_space<vmem>>) target(%dma_start3A_128 : memref<16x1024xf32, #tpu.memory_space<hbm>>) target_semaphore(%arg21 : memref<!tpu.dma_semaphore, #tpu.memory_space<semaphore_mem>>)
    %add3A_129 = arith.constant 32 : i32
    %add3A_130 = arith.addi %mul3A_2, %add3A_129 : i32
    %dma_wait3A_131 = arith.constant 0 : i32
    %dma_wait3A_132 = tpu.memref_slice %arg4[%add3A_130, %dma_wait3A_131] : memref<32768x1024xf32, #tpu.memory_space<hbm>> -> memref<16x1024xf32, #tpu.memory_space<hbm>>
    %dma_wait3A_133 = arith.constant 0 : i32
    %dma_wait3A_134 = tpu.memref_slice %arg4[%add3A_130, %dma_wait3A_133] : memref<32768x1024xf32, #tpu.memory_space<hbm>> -> memref<16x1024xf32, #tpu.memory_space<hbm>>
    tpu.wait_dma2 semaphore(%arg20 : memref<!tpu.dma_semaphore, #tpu.memory_space<semaphore_mem>>) src(%arg8 : memref<16x1024xf32, #tpu.memory_space<vmem>>) dst(%dma_wait3A_134 : memref<16x1024xf32, #tpu.memory_space<hbm>>)
    %dma_start3A_135 = arith.constant 128 : i32
    %dma_start3A_136 = tpu.memref_slice %arg5[%dma_start3A_135] : memref<1024xi32, #tpu.memory_space<vmem>> -> memref<16xi32, #tpu.memory_space<vmem>>
    %dma_start3A_137 = arith.constant 0 : i32
    %dma_start3A_138 = arith.constant 0 : i32
    %dma_start3A_139 = tpu.memref_slice %arg2[%dma_start3A_137, %dma_start3A_138] : memref<100000x1024xf32, #tpu.memory_space<hbm>> -> memref<100000x1024xf32, #tpu.memory_space<hbm>>
    tpu.enqueue_indirect_dma source(%dma_start3A_139 : memref<100000x1024xf32, #tpu.memory_space<hbm>>) target(%arg8 : memref<16x1024xf32, #tpu.memory_space<vmem>>) offsets(%dma_start3A_136 : memref<16xi32, #tpu.memory_space<vmem>>) semaphore(%arg14 : memref<!tpu.dma_semaphore, #tpu.memory_space<semaphore_mem>>)
    %dma_wait3A_140 = arith.constant 64 : i32
    %dma_wait3A_141 = tpu.memref_slice %arg5[%dma_wait3A_140] : memref<1024xi32, #tpu.memory_space<vmem>> -> memref<16xi32, #tpu.memory_space<vmem>>
    %dma_wait3A_142 = arith.constant 0 : i32
    %dma_wait3A_143 = arith.constant 0 : i32
    %dma_wait3A_144 = tpu.memref_slice %arg2[%dma_wait3A_142, %dma_wait3A_143] : memref<100000x1024xf32, #tpu.memory_space<hbm>> -> memref<100000x1024xf32, #tpu.memory_space<hbm>>
    tpu.wait_indirect_dma semaphore(%arg16 : memref<!tpu.dma_semaphore, #tpu.memory_space<semaphore_mem>>) src(%dma_wait3A_144 : memref<100000x1024xf32, #tpu.memory_space<hbm>>) dst(%arg10 : memref<16x1024xf32, #tpu.memory_space<vmem>>)
    %add3A_145 = arith.constant 64 : i32
    %add3A_146 = arith.addi %mul3A_2, %add3A_145 : i32
    %dma_start3A_147 = arith.constant 0 : i32
    %dma_start3A_148 = tpu.memref_slice %arg4[%add3A_146, %dma_start3A_147] : memref<32768x1024xf32, #tpu.memory_space<hbm>> -> memref<16x1024xf32, #tpu.memory_space<hbm>>
    %dma_start3A_149 = arith.constant 0 : i32
    %dma_start3A_150 = tpu.memref_slice %arg4[%add3A_146, %dma_start3A_149] : memref<32768x1024xf32, #tpu.memory_space<hbm>> -> memref<16x1024xf32, #tpu.memory_space<hbm>>
    tpu.enqueue_dma source(%arg10 : memref<16x1024xf32, #tpu.memory_space<vmem>>) target(%dma_start3A_150 : memref<16x1024xf32, #tpu.memory_space<hbm>>) target_semaphore(%arg22 : memref<!tpu.dma_semaphore, #tpu.memory_space<semaphore_mem>>)
    %add3A_151 = arith.constant 48 : i32
    %add3A_152 = arith.addi %mul3A_2, %add3A_151 : i32
    %dma_wait3A_153 = arith.constant 0 : i32
    %dma_wait3A_154 = tpu.memref_slice %arg4[%add3A_152, %dma_wait3A_153] : memref<32768x1024xf32, #tpu.memory_space<hbm>> -> memref<16x1024xf32, #tpu.memory_space<hbm>>
    %dma_wait3A_155 = arith.constant 0 : i32
    %dma_wait3A_156 = tpu.memref_slice %arg4[%add3A_152, %dma_wait3A_155] : memref<32768x1024xf32, #tpu.memory_space<hbm>> -> memref<16x1024xf32, #tpu.memory_space<hbm>>
    tpu.wait_dma2 semaphore(%arg21 : memref<!tpu.dma_semaphore, #tpu.memory_space<semaphore_mem>>) src(%arg9 : memref<16x1024xf32, #tpu.memory_space<vmem>>) dst(%dma_wait3A_156 : memref<16x1024xf32, #tpu.memory_space<hbm>>)
    %dma_start3A_157 = arith.constant 144 : i32
    %dma_start3A_158 = tpu.memref_slice %arg5[%dma_start3A_157] : memref<1024xi32, #tpu.memory_space<vmem>> -> memref<16xi32, #tpu.memory_space<vmem>>
    %dma_start3A_159 = arith.constant 0 : i32
    %dma_start3A_160 = arith.constant 0 : i32
    %dma_start3A_161 = tpu.memref_slice %arg2[%dma_start3A_159, %dma_start3A_160] : memref<100000x1024xf32, #tpu.memory_space<hbm>> -> memref<100000x1024xf32, #tpu.memory_space<hbm>>
    tpu.enqueue_indirect_dma source(%dma_start3A_161 : memref<100000x1024xf32, #tpu.memory_space<hbm>>) target(%arg9 : memref<16x1024xf32, #tpu.memory_space<vmem>>) offsets(%dma_start3A_158 : memref<16xi32, #tpu.memory_space<vmem>>) semaphore(%arg15 : memref<!tpu.dma_semaphore, #tpu.memory_space<semaphore_mem>>)
    %dma_wait3A_162 = arith.constant 80 : i32
    %dma_wait3A_163 = tpu.memref_slice %arg5[%dma_wait3A_162] : memref<1024xi32, #tpu.memory_space<vmem>> -> memref<16xi32, #tpu.memory_space<vmem>>
    %dma_wait3A_164 = arith.constant 0 : i32
    %dma_wait3A_165 = arith.constant 0 : i32
    %dma_wait3A_166 = tpu.memref_slice %arg2[%dma_wait3A_164, %dma_wait3A_165] : memref<100000x1024xf32, #tpu.memory_space<hbm>> -> memref<100000x1024xf32, #tpu.memory_space<hbm>>
    tpu.wait_indirect_dma semaphore(%arg17 : memref<!tpu.dma_semaphore, #tpu.memory_space<semaphore_mem>>) src(%dma_wait3A_166 : memref<100000x1024xf32, #tpu.memory_space<hbm>>) dst(%arg11 : memref<16x1024xf32, #tpu.memory_space<vmem>>)
    %add3A_167 = arith.constant 80 : i32
    %add3A_168 = arith.addi %mul3A_2, %add3A_167 : i32
    %dma_start3A_169 = arith.constant 0 : i32
    %dma_start3A_170 = tpu.memref_slice %arg4[%add3A_168, %dma_start3A_169] : memref<32768x1024xf32, #tpu.memory_space<hbm>> -> memref<16x1024xf32, #tpu.memory_space<hbm>>
    %dma_start3A_171 = arith.constant 0 : i32
    %dma_start3A_172 = tpu.memref_slice %arg4[%add3A_168, %dma_start3A_171] : memref<32768x1024xf32, #tpu.memory_space<hbm>> -> memref<16x1024xf32, #tpu.memory_space<hbm>>
    tpu.enqueue_dma source(%arg11 : memref<16x1024xf32, #tpu.memory_space<vmem>>) target(%dma_start3A_172 : memref<16x1024xf32, #tpu.memory_space<hbm>>) target_semaphore(%arg23 : memref<!tpu.dma_semaphore, #tpu.memory_space<semaphore_mem>>)
    %add3A_173 = arith.constant 64 : i32
    %add3A_174 = arith.addi %mul3A_2, %add3A_173 : i32
    %dma_wait3A_175 = arith.constant 0 : i32
    %dma_wait3A_176 = tpu.memref_slice %arg4[%add3A_174, %dma_wait3A_175] : memref<32768x1024xf32, #tpu.memory_space<hbm>> -> memref<16x1024xf32, #tpu.memory_space<hbm>>
    %dma_wait3A_177 = arith.constant 0 : i32
    %dma_wait3A_178 = tpu.memref_slice %arg4[%add3A_174, %dma_wait3A_177] : memref<32768x1024xf32, #tpu.memory_space<hbm>> -> memref<16x1024xf32, #tpu.memory_space<hbm>>
    tpu.wait_dma2 semaphore(%arg22 : memref<!tpu.dma_semaphore, #tpu.memory_space<semaphore_mem>>) src(%arg10 : memref<16x1024xf32, #tpu.memory_space<vmem>>) dst(%dma_wait3A_178 : memref<16x1024xf32, #tpu.memory_space<hbm>>)
    %dma_start3A_179 = arith.constant 160 : i32
    %dma_start3A_180 = tpu.memref_slice %arg5[%dma_start3A_179] : memref<1024xi32, #tpu.memory_space<vmem>> -> memref<16xi32, #tpu.memory_space<vmem>>
    %dma_start3A_181 = arith.constant 0 : i32
    %dma_start3A_182 = arith.constant 0 : i32
    %dma_start3A_183 = tpu.memref_slice %arg2[%dma_start3A_181, %dma_start3A_182] : memref<100000x1024xf32, #tpu.memory_space<hbm>> -> memref<100000x1024xf32, #tpu.memory_space<hbm>>
    tpu.enqueue_indirect_dma source(%dma_start3A_183 : memref<100000x1024xf32, #tpu.memory_space<hbm>>) target(%arg10 : memref<16x1024xf32, #tpu.memory_space<vmem>>) offsets(%dma_start3A_180 : memref<16xi32, #tpu.memory_space<vmem>>) semaphore(%arg16 : memref<!tpu.dma_semaphore, #tpu.memory_space<semaphore_mem>>)
    %scan3A = arith.constant 0 : i32
    %scan3A_184 = arith.constant 0 : i32
    %scan3A_185 = arith.constant 8 : i32
    %scan3A_186 = arith.addi %scan3A_184, %scan3A_185 : i32
    %scan3A_187 = arith.constant 1 : i32
    scf.for %scan3A_390 = %scan3A_184 to %scan3A_186 step %scan3A_187  : i32 {
      %mul3A_391 = arith.constant 6 : i32
      %mul3A_392 = arith.muli %scan3A_390, %mul3A_391 : i32
      %add3A_393 = arith.constant 6 : i32
      %add3A_394 = arith.addi %add3A_393, %mul3A_392 : i32
      %add3A_395 = arith.constant 0 : i32
      %add3A_396 = arith.addi %add3A_394, %add3A_395 : i32
      %mul3A_397 = arith.constant 16 : i32
      %mul3A_398 = arith.muli %add3A_396, %mul3A_397 : i32
      %dma_wait3A_399 = tpu.memref_slice %arg5[%mul3A_398] : memref<1024xi32, #tpu.memory_space<vmem>> -> memref<16xi32, #tpu.memory_space<vmem>>
      %dma_wait3A_400 = arith.constant 0 : i32
      %dma_wait3A_401 = arith.constant 0 : i32
      %dma_wait3A_402 = tpu.memref_slice %arg2[%dma_wait3A_400, %dma_wait3A_401] : memref<100000x1024xf32, #tpu.memory_space<hbm>> -> memref<100000x1024xf32, #tpu.memory_space<hbm>>
      tpu.wait_indirect_dma semaphore(%arg12 : memref<!tpu.dma_semaphore, #tpu.memory_space<semaphore_mem>>) src(%dma_wait3A_402 : memref<100000x1024xf32, #tpu.memory_space<hbm>>) dst(%arg6 : memref<16x1024xf32, #tpu.memory_space<vmem>>)
      %mul3A_403 = arith.constant 16 : i32
      %mul3A_404 = arith.muli %add3A_396, %mul3A_403 : i32
      %add3A_405 = arith.addi %mul3A_2, %mul3A_404 : i32
      %dma_start3A_406 = arith.constant 0 : i32
      %dma_start3A_407 = tpu.memref_slice %arg4[%add3A_405, %dma_start3A_406] : memref<32768x1024xf32, #tpu.memory_space<hbm>> -> memref<16x1024xf32, #tpu.memory_space<hbm>>
      %dma_start3A_408 = arith.constant 0 : i32
      %dma_start3A_409 = tpu.memref_slice %arg4[%add3A_405, %dma_start3A_408] : memref<32768x1024xf32, #tpu.memory_space<hbm>> -> memref<16x1024xf32, #tpu.memory_space<hbm>>
      tpu.enqueue_dma source(%arg6 : memref<16x1024xf32, #tpu.memory_space<vmem>>) target(%dma_start3A_409 : memref<16x1024xf32, #tpu.memory_space<hbm>>) target_semaphore(%arg18 : memref<!tpu.dma_semaphore, #tpu.memory_space<semaphore_mem>>)
      %sub3A_410 = arith.constant 1 : i32
      %sub3A_411 = arith.subi %add3A_396, %sub3A_410 : i32
      %mul3A_412 = arith.constant 16 : i32
      %mul3A_413 = arith.muli %sub3A_411, %mul3A_412 : i32
      %add3A_414 = arith.addi %mul3A_2, %mul3A_413 : i32
      %dma_wait3A_415 = arith.constant 0 : i32
      %dma_wait3A_416 = tpu.memref_slice %arg4[%add3A_414, %dma_wait3A_415] : memref<32768x1024xf32, #tpu.memory_space<hbm>> -> memref<16x1024xf32, #tpu.memory_space<hbm>>
      %dma_wait3A_417 = arith.constant 0 : i32
      %dma_wait3A_418 = tpu.memref_slice %arg4[%add3A_414, %dma_wait3A_417] : memref<32768x1024xf32, #tpu.memory_space<hbm>> -> memref<16x1024xf32, #tpu.memory_space<hbm>>
      tpu.wait_dma2 semaphore(%arg23 : memref<!tpu.dma_semaphore, #tpu.memory_space<semaphore_mem>>) src(%arg11 : memref<16x1024xf32, #tpu.memory_space<vmem>>) dst(%dma_wait3A_418 : memref<16x1024xf32, #tpu.memory_space<hbm>>)
      %add3A_419 = arith.constant 6 : i32
      %add3A_420 = arith.addi %add3A_396, %add3A_419 : i32
      %sub3A_421 = arith.constant 1 : i32
      %sub3A_422 = arith.subi %add3A_420, %sub3A_421 : i32
      %mul3A_423 = arith.constant 16 : i32
      %mul3A_424 = arith.muli %sub3A_422, %mul3A_423 : i32
      %dma_start3A_425 = tpu.memref_slice %arg5[%mul3A_424] : memref<1024xi32, #tpu.memory_space<vmem>> -> memref<16xi32, #tpu.memory_space<vmem>>
      %dma_start3A_426 = arith.constant 0 : i32
      %dma_start3A_427 = arith.constant 0 : i32
      %dma_start3A_428 = tpu.memref_slice %arg2[%dma_start3A_426, %dma_start3A_427] : memref<100000x1024xf32, #tpu.memory_space<hbm>> -> memref<100000x1024xf32, #tpu.memory_space<hbm>>
      tpu.enqueue_indirect_dma source(%dma_start3A_428 : memref<100000x1024xf32, #tpu.memory_space<hbm>>) target(%arg11 : memref<16x1024xf32, #tpu.memory_space<vmem>>) offsets(%dma_start3A_425 : memref<16xi32, #tpu.memory_space<vmem>>) semaphore(%arg17 : memref<!tpu.dma_semaphore, #tpu.memory_space<semaphore_mem>>)
      %mul3A_429 = arith.constant 6 : i32
      %mul3A_430 = arith.muli %scan3A_390, %mul3A_429 : i32
      %add3A_431 = arith.constant 6 : i32
      %add3A_432 = arith.addi %add3A_431, %mul3A_430 : i32
      %add3A_433 = arith.constant 1 : i32
      %add3A_434 = arith.addi %add3A_432, %add3A_433 : i32
      %mul3A_435 = arith.constant 16 : i32
      %mul3A_436 = arith.muli %add3A_434, %mul3A_435 : i32
      %dma_wait3A_437 = tpu.memref_slice %arg5[%mul3A_436] : memref<1024xi32, #tpu.memory_space<vmem>> -> memref<16xi32, #tpu.memory_space<vmem>>
      %dma_wait3A_438 = arith.constant 0 : i32
      %dma_wait3A_439 = arith.constant 0 : i32
      %dma_wait3A_440 = tpu.memref_slice %arg2[%dma_wait3A_438, %dma_wait3A_439] : memref<100000x1024xf32, #tpu.memory_space<hbm>> -> memref<100000x1024xf32, #tpu.memory_space<hbm>>
      tpu.wait_indirect_dma semaphore(%arg13 : memref<!tpu.dma_semaphore, #tpu.memory_space<semaphore_mem>>) src(%dma_wait3A_440 : memref<100000x1024xf32, #tpu.memory_space<hbm>>) dst(%arg7 : memref<16x1024xf32, #tpu.memory_space<vmem>>)
      %mul3A_441 = arith.constant 16 : i32
      %mul3A_442 = arith.muli %add3A_434, %mul3A_441 : i32
      %add3A_443 = arith.addi %mul3A_2, %mul3A_442 : i32
      %dma_start3A_444 = arith.constant 0 : i32
      %dma_start3A_445 = tpu.memref_slice %arg4[%add3A_443, %dma_start3A_444] : memref<32768x1024xf32, #tpu.memory_space<hbm>> -> memref<16x1024xf32, #tpu.memory_space<hbm>>
      %dma_start3A_446 = arith.constant 0 : i32
      %dma_start3A_447 = tpu.memref_slice %arg4[%add3A_443, %dma_start3A_446] : memref<32768x1024xf32, #tpu.memory_space<hbm>> -> memref<16x1024xf32, #tpu.memory_space<hbm>>
      tpu.enqueue_dma source(%arg7 : memref<16x1024xf32, #tpu.memory_space<vmem>>) target(%dma_start3A_447 : memref<16x1024xf32, #tpu.memory_space<hbm>>) target_semaphore(%arg19 : memref<!tpu.dma_semaphore, #tpu.memory_space<semaphore_mem>>)
      %sub3A_448 = arith.constant 1 : i32
      %sub3A_449 = arith.subi %add3A_434, %sub3A_448 : i32
      %mul3A_450 = arith.constant 16 : i32
      %mul3A_451 = arith.muli %sub3A_449, %mul3A_450 : i32
      %add3A_452 = arith.addi %mul3A_2, %mul3A_451 : i32
      %dma_wait3A_453 = arith.constant 0 : i32
      %dma_wait3A_454 = tpu.memref_slice %arg4[%add3A_452, %dma_wait3A_453] : memref<32768x1024xf32, #tpu.memory_space<hbm>> -> memref<16x1024xf32, #tpu.memory_space<hbm>>
      %dma_wait3A_455 = arith.constant 0 : i32
      %dma_wait3A_456 = tpu.memref_slice %arg4[%add3A_452, %dma_wait3A_455] : memref<32768x1024xf32, #tpu.memory_space<hbm>> -> memref<16x1024xf32, #tpu.memory_space<hbm>>
      tpu.wait_dma2 semaphore(%arg18 : memref<!tpu.dma_semaphore, #tpu.memory_space<semaphore_mem>>) src(%arg6 : memref<16x1024xf32, #tpu.memory_space<vmem>>) dst(%dma_wait3A_456 : memref<16x1024xf32, #tpu.memory_space<hbm>>)
      %add3A_457 = arith.constant 6 : i32
      %add3A_458 = arith.addi %add3A_434, %add3A_457 : i32
      %sub3A_459 = arith.constant 1 : i32
      %sub3A_460 = arith.subi %add3A_458, %sub3A_459 : i32
      %mul3A_461 = arith.constant 16 : i32
      %mul3A_462 = arith.muli %sub3A_460, %mul3A_461 : i32
      %dma_start3A_463 = tpu.memref_slice %arg5[%mul3A_462] : memref<1024xi32, #tpu.memory_space<vmem>> -> memref<16xi32, #tpu.memory_space<vmem>>
      %dma_start3A_464 = arith.constant 0 : i32
      %dma_start3A_465 = arith.constant 0 : i32
      %dma_start3A_466 = tpu.memref_slice %arg2[%dma_start3A_464, %dma_start3A_465] : memref<100000x1024xf32, #tpu.memory_space<hbm>> -> memref<100000x1024xf32, #tpu.memory_space<hbm>>
      tpu.enqueue_indirect_dma source(%dma_start3A_466 : memref<100000x1024xf32, #tpu.memory_space<hbm>>) target(%arg6 : memref<16x1024xf32, #tpu.memory_space<vmem>>) offsets(%dma_start3A_463 : memref<16xi32, #tpu.memory_space<vmem>>) semaphore(%arg12 : memref<!tpu.dma_semaphore, #tpu.memory_space<semaphore_mem>>)
      %mul3A_467 = arith.constant 6 : i32
      %mul3A_468 = arith.muli %scan3A_390, %mul3A_467 : i32
      %add3A_469 = arith.constant 6 : i32
      %add3A_470 = arith.addi %add3A_469, %mul3A_468 : i32
      %add3A_471 = arith.constant 2 : i32
      %add3A_472 = arith.addi %add3A_470, %add3A_471 : i32
      %mul3A_473 = arith.constant 16 : i32
      %mul3A_474 = arith.muli %add3A_472, %mul3A_473 : i32
      %dma_wait3A_475 = tpu.memref_slice %arg5[%mul3A_474] : memref<1024xi32, #tpu.memory_space<vmem>> -> memref<16xi32, #tpu.memory_space<vmem>>
      %dma_wait3A_476 = arith.constant 0 : i32
      %dma_wait3A_477 = arith.constant 0 : i32
      %dma_wait3A_478 = tpu.memref_slice %arg2[%dma_wait3A_476, %dma_wait3A_477] : memref<100000x1024xf32, #tpu.memory_space<hbm>> -> memref<100000x1024xf32, #tpu.memory_space<hbm>>
      tpu.wait_indirect_dma semaphore(%arg14 : memref<!tpu.dma_semaphore, #tpu.memory_space<semaphore_mem>>) src(%dma_wait3A_478 : memref<100000x1024xf32, #tpu.memory_space<hbm>>) dst(%arg8 : memref<16x1024xf32, #tpu.memory_space<vmem>>)
      %mul3A_479 = arith.constant 16 : i32
      %mul3A_480 = arith.muli %add3A_472, %mul3A_479 : i32
      %add3A_481 = arith.addi %mul3A_2, %mul3A_480 : i32
      %dma_start3A_482 = arith.constant 0 : i32
      %dma_start3A_483 = tpu.memref_slice %arg4[%add3A_481, %dma_start3A_482] : memref<32768x1024xf32, #tpu.memory_space<hbm>> -> memref<16x1024xf32, #tpu.memory_space<hbm>>
      %dma_start3A_484 = arith.constant 0 : i32
      %dma_start3A_485 = tpu.memref_slice %arg4[%add3A_481, %dma_start3A_484] : memref<32768x1024xf32, #tpu.memory_space<hbm>> -> memref<16x1024xf32, #tpu.memory_space<hbm>>
      tpu.enqueue_dma source(%arg8 : memref<16x1024xf32, #tpu.memory_space<vmem>>) target(%dma_start3A_485 : memref<16x1024xf32, #tpu.memory_space<hbm>>) target_semaphore(%arg20 : memref<!tpu.dma_semaphore, #tpu.memory_space<semaphore_mem>>)
      %sub3A_486 = arith.constant 1 : i32
      %sub3A_487 = arith.subi %add3A_472, %sub3A_486 : i32
      %mul3A_488 = arith.constant 16 : i32
      %mul3A_489 = arith.muli %sub3A_487, %mul3A_488 : i32
      %add3A_490 = arith.addi %mul3A_2, %mul3A_489 : i32
      %dma_wait3A_491 = arith.constant 0 : i32
      %dma_wait3A_492 = tpu.memref_slice %arg4[%add3A_490, %dma_wait3A_491] : memref<32768x1024xf32, #tpu.memory_space<hbm>> -> memref<16x1024xf32, #tpu.memory_space<hbm>>
      %dma_wait3A_493 = arith.constant 0 : i32
      %dma_wait3A_494 = tpu.memref_slice %arg4[%add3A_490, %dma_wait3A_493] : memref<32768x1024xf32, #tpu.memory_space<hbm>> -> memref<16x1024xf32, #tpu.memory_space<hbm>>
      tpu.wait_dma2 semaphore(%arg19 : memref<!tpu.dma_semaphore, #tpu.memory_space<semaphore_mem>>) src(%arg7 : memref<16x1024xf32, #tpu.memory_space<vmem>>) dst(%dma_wait3A_494 : memref<16x1024xf32, #tpu.memory_space<hbm>>)
      %add3A_495 = arith.constant 6 : i32
      %add3A_496 = arith.addi %add3A_472, %add3A_495 : i32
      %sub3A_497 = arith.constant 1 : i32
      %sub3A_498 = arith.subi %add3A_496, %sub3A_497 : i32
      %mul3A_499 = arith.constant 16 : i32
      %mul3A_500 = arith.muli %sub3A_498, %mul3A_499 : i32
      %dma_start3A_501 = tpu.memref_slice %arg5[%mul3A_500] : memref<1024xi32, #tpu.memory_space<vmem>> -> memref<16xi32, #tpu.memory_space<vmem>>
      %dma_start3A_502 = arith.constant 0 : i32
      %dma_start3A_503 = arith.constant 0 : i32
      %dma_start3A_504 = tpu.memref_slice %arg2[%dma_start3A_502, %dma_start3A_503] : memref<100000x1024xf32, #tpu.memory_space<hbm>> -> memref<100000x1024xf32, #tpu.memory_space<hbm>>
      tpu.enqueue_indirect_dma source(%dma_start3A_504 : memref<100000x1024xf32, #tpu.memory_space<hbm>>) target(%arg7 : memref<16x1024xf32, #tpu.memory_space<vmem>>) offsets(%dma_start3A_501 : memref<16xi32, #tpu.memory_space<vmem>>) semaphore(%arg13 : memref<!tpu.dma_semaphore, #tpu.memory_space<semaphore_mem>>)
      %mul3A_505 = arith.constant 6 : i32
      %mul3A_506 = arith.muli %scan3A_390, %mul3A_505 : i32
      %add3A_507 = arith.constant 6 : i32
      %add3A_508 = arith.addi %add3A_507, %mul3A_506 : i32
      %add3A_509 = arith.constant 3 : i32
      %add3A_510 = arith.addi %add3A_508, %add3A_509 : i32
      %mul3A_511 = arith.constant 16 : i32
      %mul3A_512 = arith.muli %add3A_510, %mul3A_511 : i32
      %dma_wait3A_513 = tpu.memref_slice %arg5[%mul3A_512] : memref<1024xi32, #tpu.memory_space<vmem>> -> memref<16xi32, #tpu.memory_space<vmem>>
      %dma_wait3A_514 = arith.constant 0 : i32
      %dma_wait3A_515 = arith.constant 0 : i32
      %dma_wait3A_516 = tpu.memref_slice %arg2[%dma_wait3A_514, %dma_wait3A_515] : memref<100000x1024xf32, #tpu.memory_space<hbm>> -> memref<100000x1024xf32, #tpu.memory_space<hbm>>
      tpu.wait_indirect_dma semaphore(%arg15 : memref<!tpu.dma_semaphore, #tpu.memory_space<semaphore_mem>>) src(%dma_wait3A_516 : memref<100000x1024xf32, #tpu.memory_space<hbm>>) dst(%arg9 : memref<16x1024xf32, #tpu.memory_space<vmem>>)
      %mul3A_517 = arith.constant 16 : i32
      %mul3A_518 = arith.muli %add3A_510, %mul3A_517 : i32
      %add3A_519 = arith.addi %mul3A_2, %mul3A_518 : i32
      %dma_start3A_520 = arith.constant 0 : i32
      %dma_start3A_521 = tpu.memref_slice %arg4[%add3A_519, %dma_start3A_520] : memref<32768x1024xf32, #tpu.memory_space<hbm>> -> memref<16x1024xf32, #tpu.memory_space<hbm>>
      %dma_start3A_522 = arith.constant 0 : i32
      %dma_start3A_523 = tpu.memref_slice %arg4[%add3A_519, %dma_start3A_522] : memref<32768x1024xf32, #tpu.memory_space<hbm>> -> memref<16x1024xf32, #tpu.memory_space<hbm>>
      tpu.enqueue_dma source(%arg9 : memref<16x1024xf32, #tpu.memory_space<vmem>>) target(%dma_start3A_523 : memref<16x1024xf32, #tpu.memory_space<hbm>>) target_semaphore(%arg21 : memref<!tpu.dma_semaphore, #tpu.memory_space<semaphore_mem>>)
      %sub3A_524 = arith.constant 1 : i32
      %sub3A_525 = arith.subi %add3A_510, %sub3A_524 : i32
      %mul3A_526 = arith.constant 16 : i32
      %mul3A_527 = arith.muli %sub3A_525, %mul3A_526 : i32
      %add3A_528 = arith.addi %mul3A_2, %mul3A_527 : i32
      %dma_wait3A_529 = arith.constant 0 : i32
      %dma_wait3A_530 = tpu.memref_slice %arg4[%add3A_528, %dma_wait3A_529] : memref<32768x1024xf32, #tpu.memory_space<hbm>> -> memref<16x1024xf32, #tpu.memory_space<hbm>>
      %dma_wait3A_531 = arith.constant 0 : i32
      %dma_wait3A_532 = tpu.memref_slice %arg4[%add3A_528, %dma_wait3A_531] : memref<32768x1024xf32, #tpu.memory_space<hbm>> -> memref<16x1024xf32, #tpu.memory_space<hbm>>
      tpu.wait_dma2 semaphore(%arg20 : memref<!tpu.dma_semaphore, #tpu.memory_space<semaphore_mem>>) src(%arg8 : memref<16x1024xf32, #tpu.memory_space<vmem>>) dst(%dma_wait3A_532 : memref<16x1024xf32, #tpu.memory_space<hbm>>)
      %add3A_533 = arith.constant 6 : i32
      %add3A_534 = arith.addi %add3A_510, %add3A_533 : i32
      %sub3A_535 = arith.constant 1 : i32
      %sub3A_536 = arith.subi %add3A_534, %sub3A_535 : i32
      %mul3A_537 = arith.constant 16 : i32
      %mul3A_538 = arith.muli %sub3A_536, %mul3A_537 : i32
      %dma_start3A_539 = tpu.memref_slice %arg5[%mul3A_538] : memref<1024xi32, #tpu.memory_space<vmem>> -> memref<16xi32, #tpu.memory_space<vmem>>
      %dma_start3A_540 = arith.constant 0 : i32
      %dma_start3A_541 = arith.constant 0 : i32
      %dma_start3A_542 = tpu.memref_slice %arg2[%dma_start3A_540, %dma_start3A_541] : memref<100000x1024xf32, #tpu.memory_space<hbm>> -> memref<100000x1024xf32, #tpu.memory_space<hbm>>
      tpu.enqueue_indirect_dma source(%dma_start3A_542 : memref<100000x1024xf32, #tpu.memory_space<hbm>>) target(%arg8 : memref<16x1024xf32, #tpu.memory_space<vmem>>) offsets(%dma_start3A_539 : memref<16xi32, #tpu.memory_space<vmem>>) semaphore(%arg14 : memref<!tpu.dma_semaphore, #tpu.memory_space<semaphore_mem>>)
      %mul3A_543 = arith.constant 6 : i32
      %mul3A_544 = arith.muli %scan3A_390, %mul3A_543 : i32
      %add3A_545 = arith.constant 6 : i32
      %add3A_546 = arith.addi %add3A_545, %mul3A_544 : i32
      %add3A_547 = arith.constant 4 : i32
      %add3A_548 = arith.addi %add3A_546, %add3A_547 : i32
      %mul3A_549 = arith.constant 16 : i32
      %mul3A_550 = arith.muli %add3A_548, %mul3A_549 : i32
      %dma_wait3A_551 = tpu.memref_slice %arg5[%mul3A_550] : memref<1024xi32, #tpu.memory_space<vmem>> -> memref<16xi32, #tpu.memory_space<vmem>>
      %dma_wait3A_552 = arith.constant 0 : i32
      %dma_wait3A_553 = arith.constant 0 : i32
      %dma_wait3A_554 = tpu.memref_slice %arg2[%dma_wait3A_552, %dma_wait3A_553] : memref<100000x1024xf32, #tpu.memory_space<hbm>> -> memref<100000x1024xf32, #tpu.memory_space<hbm>>
      tpu.wait_indirect_dma semaphore(%arg16 : memref<!tpu.dma_semaphore, #tpu.memory_space<semaphore_mem>>) src(%dma_wait3A_554 : memref<100000x1024xf32, #tpu.memory_space<hbm>>) dst(%arg10 : memref<16x1024xf32, #tpu.memory_space<vmem>>)
      %mul3A_555 = arith.constant 16 : i32
      %mul3A_556 = arith.muli %add3A_548, %mul3A_555 : i32
      %add3A_557 = arith.addi %mul3A_2, %mul3A_556 : i32
      %dma_start3A_558 = arith.constant 0 : i32
      %dma_start3A_559 = tpu.memref_slice %arg4[%add3A_557, %dma_start3A_558] : memref<32768x1024xf32, #tpu.memory_space<hbm>> -> memref<16x1024xf32, #tpu.memory_space<hbm>>
      %dma_start3A_560 = arith.constant 0 : i32
      %dma_start3A_561 = tpu.memref_slice %arg4[%add3A_557, %dma_start3A_560] : memref<32768x1024xf32, #tpu.memory_space<hbm>> -> memref<16x1024xf32, #tpu.memory_space<hbm>>
      tpu.enqueue_dma source(%arg10 : memref<16x1024xf32, #tpu.memory_space<vmem>>) target(%dma_start3A_561 : memref<16x1024xf32, #tpu.memory_space<hbm>>) target_semaphore(%arg22 : memref<!tpu.dma_semaphore, #tpu.memory_space<semaphore_mem>>)
      %sub3A_562 = arith.constant 1 : i32
      %sub3A_563 = arith.subi %add3A_548, %sub3A_562 : i32
      %mul3A_564 = arith.constant 16 : i32
      %mul3A_565 = arith.muli %sub3A_563, %mul3A_564 : i32
      %add3A_566 = arith.addi %mul3A_2, %mul3A_565 : i32
      %dma_wait3A_567 = arith.constant 0 : i32
      %dma_wait3A_568 = tpu.memref_slice %arg4[%add3A_566, %dma_wait3A_567] : memref<32768x1024xf32, #tpu.memory_space<hbm>> -> memref<16x1024xf32, #tpu.memory_space<hbm>>
      %dma_wait3A_569 = arith.constant 0 : i32
      %dma_wait3A_570 = tpu.memref_slice %arg4[%add3A_566, %dma_wait3A_569] : memref<32768x1024xf32, #tpu.memory_space<hbm>> -> memref<16x1024xf32, #tpu.memory_space<hbm>>
      tpu.wait_dma2 semaphore(%arg21 : memref<!tpu.dma_semaphore, #tpu.memory_space<semaphore_mem>>) src(%arg9 : memref<16x1024xf32, #tpu.memory_space<vmem>>) dst(%dma_wait3A_570 : memref<16x1024xf32, #tpu.memory_space<hbm>>)
      %add3A_571 = arith.constant 6 : i32
      %add3A_572 = arith.addi %add3A_548, %add3A_571 : i32
      %sub3A_573 = arith.constant 1 : i32
      %sub3A_574 = arith.subi %add3A_572, %sub3A_573 : i32
      %mul3A_575 = arith.constant 16 : i32
      %mul3A_576 = arith.muli %sub3A_574, %mul3A_575 : i32
      %dma_start3A_577 = tpu.memref_slice %arg5[%mul3A_576] : memref<1024xi32, #tpu.memory_space<vmem>> -> memref<16xi32, #tpu.memory_space<vmem>>
      %dma_start3A_578 = arith.constant 0 : i32
      %dma_start3A_579 = arith.constant 0 : i32
      %dma_start3A_580 = tpu.memref_slice %arg2[%dma_start3A_578, %dma_start3A_579] : memref<100000x1024xf32, #tpu.memory_space<hbm>> -> memref<100000x1024xf32, #tpu.memory_space<hbm>>
      tpu.enqueue_indirect_dma source(%dma_start3A_580 : memref<100000x1024xf32, #tpu.memory_space<hbm>>) target(%arg9 : memref<16x1024xf32, #tpu.memory_space<vmem>>) offsets(%dma_start3A_577 : memref<16xi32, #tpu.memory_space<vmem>>) semaphore(%arg15 : memref<!tpu.dma_semaphore, #tpu.memory_space<semaphore_mem>>)
      %mul3A_581 = arith.constant 6 : i32
      %mul3A_582 = arith.muli %scan3A_390, %mul3A_581 : i32
      %add3A_583 = arith.constant 6 : i32
      %add3A_584 = arith.addi %add3A_583, %mul3A_582 : i32
      %add3A_585 = arith.constant 5 : i32
      %add3A_586 = arith.addi %add3A_584, %add3A_585 : i32
      %mul3A_587 = arith.constant 16 : i32
      %mul3A_588 = arith.muli %add3A_586, %mul3A_587 : i32
      %dma_wait3A_589 = tpu.memref_slice %arg5[%mul3A_588] : memref<1024xi32, #tpu.memory_space<vmem>> -> memref<16xi32, #tpu.memory_space<vmem>>
      %dma_wait3A_590 = arith.constant 0 : i32
      %dma_wait3A_591 = arith.constant 0 : i32
      %dma_wait3A_592 = tpu.memref_slice %arg2[%dma_wait3A_590, %dma_wait3A_591] : memref<100000x1024xf32, #tpu.memory_space<hbm>> -> memref<100000x1024xf32, #tpu.memory_space<hbm>>
      tpu.wait_indirect_dma semaphore(%arg17 : memref<!tpu.dma_semaphore, #tpu.memory_space<semaphore_mem>>) src(%dma_wait3A_592 : memref<100000x1024xf32, #tpu.memory_space<hbm>>) dst(%arg11 : memref<16x1024xf32, #tpu.memory_space<vmem>>)
      %mul3A_593 = arith.constant 16 : i32
      %mul3A_594 = arith.muli %add3A_586, %mul3A_593 : i32
      %add3A_595 = arith.addi %mul3A_2, %mul3A_594 : i32
      %dma_start3A_596 = arith.constant 0 : i32
      %dma_start3A_597 = tpu.memref_slice %arg4[%add3A_595, %dma_start3A_596] : memref<32768x1024xf32, #tpu.memory_space<hbm>> -> memref<16x1024xf32, #tpu.memory_space<hbm>>
      %dma_start3A_598 = arith.constant 0 : i32
      %dma_start3A_599 = tpu.memref_slice %arg4[%add3A_595, %dma_start3A_598] : memref<32768x1024xf32, #tpu.memory_space<hbm>> -> memref<16x1024xf32, #tpu.memory_space<hbm>>
      tpu.enqueue_dma source(%arg11 : memref<16x1024xf32, #tpu.memory_space<vmem>>) target(%dma_start3A_599 : memref<16x1024xf32, #tpu.memory_space<hbm>>) target_semaphore(%arg23 : memref<!tpu.dma_semaphore, #tpu.memory_space<semaphore_mem>>)
      %sub3A_600 = arith.constant 1 : i32
      %sub3A_601 = arith.subi %add3A_586, %sub3A_600 : i32
      %mul3A_602 = arith.constant 16 : i32
      %mul3A_603 = arith.muli %sub3A_601, %mul3A_602 : i32
      %add3A_604 = arith.addi %mul3A_2, %mul3A_603 : i32
      %dma_wait3A_605 = arith.constant 0 : i32
      %dma_wait3A_606 = tpu.memref_slice %arg4[%add3A_604, %dma_wait3A_605] : memref<32768x1024xf32, #tpu.memory_space<hbm>> -> memref<16x1024xf32, #tpu.memory_space<hbm>>
      %dma_wait3A_607 = arith.constant 0 : i32
      %dma_wait3A_608 = tpu.memref_slice %arg4[%add3A_604, %dma_wait3A_607] : memref<32768x1024xf32, #tpu.memory_space<hbm>> -> memref<16x1024xf32, #tpu.memory_space<hbm>>
      tpu.wait_dma2 semaphore(%arg22 : memref<!tpu.dma_semaphore, #tpu.memory_space<semaphore_mem>>) src(%arg10 : memref<16x1024xf32, #tpu.memory_space<vmem>>) dst(%dma_wait3A_608 : memref<16x1024xf32, #tpu.memory_space<hbm>>)
      %add3A_609 = arith.constant 6 : i32
      %add3A_610 = arith.addi %add3A_586, %add3A_609 : i32
      %sub3A_611 = arith.constant 1 : i32
      %sub3A_612 = arith.subi %add3A_610, %sub3A_611 : i32
      %mul3A_613 = arith.constant 16 : i32
      %mul3A_614 = arith.muli %sub3A_612, %mul3A_613 : i32
      %dma_start3A_615 = tpu.memref_slice %arg5[%mul3A_614] : memref<1024xi32, #tpu.memory_space<vmem>> -> memref<16xi32, #tpu.memory_space<vmem>>
      %dma_start3A_616 = arith.constant 0 : i32
      %dma_start3A_617 = arith.constant 0 : i32
      %dma_start3A_618 = tpu.memref_slice %arg2[%dma_start3A_616, %dma_start3A_617] : memref<100000x1024xf32, #tpu.memory_space<hbm>> -> memref<100000x1024xf32, #tpu.memory_space<hbm>>
      tpu.enqueue_indirect_dma source(%dma_start3A_618 : memref<100000x1024xf32, #tpu.memory_space<hbm>>) target(%arg10 : memref<16x1024xf32, #tpu.memory_space<vmem>>) offsets(%dma_start3A_615 : memref<16xi32, #tpu.memory_space<vmem>>) semaphore(%arg16 : memref<!tpu.dma_semaphore, #tpu.memory_space<semaphore_mem>>)
    }
    %scan3A_188 = arith.constant 8 : i32
    %dma_wait3A_189 = arith.constant 864 : i32
    %dma_wait3A_190 = tpu.memref_slice %arg5[%dma_wait3A_189] : memref<1024xi32, #tpu.memory_space<vmem>> -> memref<16xi32, #tpu.memory_space<vmem>>
    %dma_wait3A_191 = arith.constant 0 : i32
    %dma_wait3A_192 = arith.constant 0 : i32
    %dma_wait3A_193 = tpu.memref_slice %arg2[%dma_wait3A_191, %dma_wait3A_192] : memref<100000x1024xf32, #tpu.memory_space<hbm>> -> memref<100000x1024xf32, #tpu.memory_space<hbm>>
    tpu.wait_indirect_dma semaphore(%arg12 : memref<!tpu.dma_semaphore, #tpu.memory_space<semaphore_mem>>) src(%dma_wait3A_193 : memref<100000x1024xf32, #tpu.memory_space<hbm>>) dst(%arg6 : memref<16x1024xf32, #tpu.memory_space<vmem>>)
    %add3A_194 = arith.constant 864 : i32
    %add3A_195 = arith.addi %mul3A_2, %add3A_194 : i32
    %dma_start3A_196 = arith.constant 0 : i32
    %dma_start3A_197 = tpu.memref_slice %arg4[%add3A_195, %dma_start3A_196] : memref<32768x1024xf32, #tpu.memory_space<hbm>> -> memref<16x1024xf32, #tpu.memory_space<hbm>>
    %dma_start3A_198 = arith.constant 0 : i32
    %dma_start3A_199 = tpu.memref_slice %arg4[%add3A_195, %dma_start3A_198] : memref<32768x1024xf32, #tpu.memory_space<hbm>> -> memref<16x1024xf32, #tpu.memory_space<hbm>>
    tpu.enqueue_dma source(%arg6 : memref<16x1024xf32, #tpu.memory_space<vmem>>) target(%dma_start3A_199 : memref<16x1024xf32, #tpu.memory_space<hbm>>) target_semaphore(%arg18 : memref<!tpu.dma_semaphore, #tpu.memory_space<semaphore_mem>>)
    %add3A_200 = arith.constant 848 : i32
    %add3A_201 = arith.addi %mul3A_2, %add3A_200 : i32
    %dma_wait3A_202 = arith.constant 0 : i32
    %dma_wait3A_203 = tpu.memref_slice %arg4[%add3A_201, %dma_wait3A_202] : memref<32768x1024xf32, #tpu.memory_space<hbm>> -> memref<16x1024xf32, #tpu.memory_space<hbm>>
    %dma_wait3A_204 = arith.constant 0 : i32
    %dma_wait3A_205 = tpu.memref_slice %arg4[%add3A_201, %dma_wait3A_204] : memref<32768x1024xf32, #tpu.memory_space<hbm>> -> memref<16x1024xf32, #tpu.memory_space<hbm>>
    tpu.wait_dma2 semaphore(%arg23 : memref<!tpu.dma_semaphore, #tpu.memory_space<semaphore_mem>>) src(%arg11 : memref<16x1024xf32, #tpu.memory_space<vmem>>) dst(%dma_wait3A_205 : memref<16x1024xf32, #tpu.memory_space<hbm>>)
    %dma_start3A_206 = arith.constant 944 : i32
    %dma_start3A_207 = tpu.memref_slice %arg5[%dma_start3A_206] : memref<1024xi32, #tpu.memory_space<vmem>> -> memref<16xi32, #tpu.memory_space<vmem>>
    %dma_start3A_208 = arith.constant 0 : i32
    %dma_start3A_209 = arith.constant 0 : i32
    %dma_start3A_210 = tpu.memref_slice %arg2[%dma_start3A_208, %dma_start3A_209] : memref<100000x1024xf32, #tpu.memory_space<hbm>> -> memref<100000x1024xf32, #tpu.memory_space<hbm>>
    tpu.enqueue_indirect_dma source(%dma_start3A_210 : memref<100000x1024xf32, #tpu.memory_space<hbm>>) target(%arg11 : memref<16x1024xf32, #tpu.memory_space<vmem>>) offsets(%dma_start3A_207 : memref<16xi32, #tpu.memory_space<vmem>>) semaphore(%arg17 : memref<!tpu.dma_semaphore, #tpu.memory_space<semaphore_mem>>)
    %dma_wait3A_211 = arith.constant 880 : i32
    %dma_wait3A_212 = tpu.memref_slice %arg5[%dma_wait3A_211] : memref<1024xi32, #tpu.memory_space<vmem>> -> memref<16xi32, #tpu.memory_space<vmem>>
    %dma_wait3A_213 = arith.constant 0 : i32
    %dma_wait3A_214 = arith.constant 0 : i32
    %dma_wait3A_215 = tpu.memref_slice %arg2[%dma_wait3A_213, %dma_wait3A_214] : memref<100000x1024xf32, #tpu.memory_space<hbm>> -> memref<100000x1024xf32, #tpu.memory_space<hbm>>
    tpu.wait_indirect_dma semaphore(%arg13 : memref<!tpu.dma_semaphore, #tpu.memory_space<semaphore_mem>>) src(%dma_wait3A_215 : memref<100000x1024xf32, #tpu.memory_space<hbm>>) dst(%arg7 : memref<16x1024xf32, #tpu.memory_space<vmem>>)
    %add3A_216 = arith.constant 880 : i32
    %add3A_217 = arith.addi %mul3A_2, %add3A_216 : i32
    %dma_start3A_218 = arith.constant 0 : i32
    %dma_start3A_219 = tpu.memref_slice %arg4[%add3A_217, %dma_start3A_218] : memref<32768x1024xf32, #tpu.memory_space<hbm>> -> memref<16x1024xf32, #tpu.memory_space<hbm>>
    %dma_start3A_220 = arith.constant 0 : i32
    %dma_start3A_221 = tpu.memref_slice %arg4[%add3A_217, %dma_start3A_220] : memref<32768x1024xf32, #tpu.memory_space<hbm>> -> memref<16x1024xf32, #tpu.memory_space<hbm>>
    tpu.enqueue_dma source(%arg7 : memref<16x1024xf32, #tpu.memory_space<vmem>>) target(%dma_start3A_221 : memref<16x1024xf32, #tpu.memory_space<hbm>>) target_semaphore(%arg19 : memref<!tpu.dma_semaphore, #tpu.memory_space<semaphore_mem>>)
    %add3A_222 = arith.constant 864 : i32
    %add3A_223 = arith.addi %mul3A_2, %add3A_222 : i32
    %dma_wait3A_224 = arith.constant 0 : i32
    %dma_wait3A_225 = tpu.memref_slice %arg4[%add3A_223, %dma_wait3A_224] : memref<32768x1024xf32, #tpu.memory_space<hbm>> -> memref<16x1024xf32, #tpu.memory_space<hbm>>
    %dma_wait3A_226 = arith.constant 0 : i32
    %dma_wait3A_227 = tpu.memref_slice %arg4[%add3A_223, %dma_wait3A_226] : memref<32768x1024xf32, #tpu.memory_space<hbm>> -> memref<16x1024xf32, #tpu.memory_space<hbm>>
    tpu.wait_dma2 semaphore(%arg18 : memref<!tpu.dma_semaphore, #tpu.memory_space<semaphore_mem>>) src(%arg6 : memref<16x1024xf32, #tpu.memory_space<vmem>>) dst(%dma_wait3A_227 : memref<16x1024xf32, #tpu.memory_space<hbm>>)
    %dma_start3A_228 = arith.constant 960 : i32
    %dma_start3A_229 = tpu.memref_slice %arg5[%dma_start3A_228] : memref<1024xi32, #tpu.memory_space<vmem>> -> memref<16xi32, #tpu.memory_space<vmem>>
    %dma_start3A_230 = arith.constant 0 : i32
    %dma_start3A_231 = arith.constant 0 : i32
    %dma_start3A_232 = tpu.memref_slice %arg2[%dma_start3A_230, %dma_start3A_231] : memref<100000x1024xf32, #tpu.memory_space<hbm>> -> memref<100000x1024xf32, #tpu.memory_space<hbm>>
    tpu.enqueue_indirect_dma source(%dma_start3A_232 : memref<100000x1024xf32, #tpu.memory_space<hbm>>) target(%arg6 : memref<16x1024xf32, #tpu.memory_space<vmem>>) offsets(%dma_start3A_229 : memref<16xi32, #tpu.memory_space<vmem>>) semaphore(%arg12 : memref<!tpu.dma_semaphore, #tpu.memory_space<semaphore_mem>>)
    %dma_wait3A_233 = arith.constant 896 : i32
    %dma_wait3A_234 = tpu.memref_slice %arg5[%dma_wait3A_233] : memref<1024xi32, #tpu.memory_space<vmem>> -> memref<16xi32, #tpu.memory_space<vmem>>
    %dma_wait3A_235 = arith.constant 0 : i32
    %dma_wait3A_236 = arith.constant 0 : i32
    %dma_wait3A_237 = tpu.memref_slice %arg2[%dma_wait3A_235, %dma_wait3A_236] : memref<100000x1024xf32, #tpu.memory_space<hbm>> -> memref<100000x1024xf32, #tpu.memory_space<hbm>>
    tpu.wait_indirect_dma semaphore(%arg14 : memref<!tpu.dma_semaphore, #tpu.memory_space<semaphore_mem>>) src(%dma_wait3A_237 : memref<100000x1024xf32, #tpu.memory_space<hbm>>) dst(%arg8 : memref<16x1024xf32, #tpu.memory_space<vmem>>)
    %add3A_238 = arith.constant 896 : i32
    %add3A_239 = arith.addi %mul3A_2, %add3A_238 : i32
    %dma_start3A_240 = arith.constant 0 : i32
    %dma_start3A_241 = tpu.memref_slice %arg4[%add3A_239, %dma_start3A_240] : memref<32768x1024xf32, #tpu.memory_space<hbm>> -> memref<16x1024xf32, #tpu.memory_space<hbm>>
    %dma_start3A_242 = arith.constant 0 : i32
    %dma_start3A_243 = tpu.memref_slice %arg4[%add3A_239, %dma_start3A_242] : memref<32768x1024xf32, #tpu.memory_space<hbm>> -> memref<16x1024xf32, #tpu.memory_space<hbm>>
    tpu.enqueue_dma source(%arg8 : memref<16x1024xf32, #tpu.memory_space<vmem>>) target(%dma_start3A_243 : memref<16x1024xf32, #tpu.memory_space<hbm>>) target_semaphore(%arg20 : memref<!tpu.dma_semaphore, #tpu.memory_space<semaphore_mem>>)
    %add3A_244 = arith.constant 880 : i32
    %add3A_245 = arith.addi %mul3A_2, %add3A_244 : i32
    %dma_wait3A_246 = arith.constant 0 : i32
    %dma_wait3A_247 = tpu.memref_slice %arg4[%add3A_245, %dma_wait3A_246] : memref<32768x1024xf32, #tpu.memory_space<hbm>> -> memref<16x1024xf32, #tpu.memory_space<hbm>>
    %dma_wait3A_248 = arith.constant 0 : i32
    %dma_wait3A_249 = tpu.memref_slice %arg4[%add3A_245, %dma_wait3A_248] : memref<32768x1024xf32, #tpu.memory_space<hbm>> -> memref<16x1024xf32, #tpu.memory_space<hbm>>
    tpu.wait_dma2 semaphore(%arg19 : memref<!tpu.dma_semaphore, #tpu.memory_space<semaphore_mem>>) src(%arg7 : memref<16x1024xf32, #tpu.memory_space<vmem>>) dst(%dma_wait3A_249 : memref<16x1024xf32, #tpu.memory_space<hbm>>)
    %dma_start3A_250 = arith.constant 976 : i32
    %dma_start3A_251 = tpu.memref_slice %arg5[%dma_start3A_250] : memref<1024xi32, #tpu.memory_space<vmem>> -> memref<16xi32, #tpu.memory_space<vmem>>
    %dma_start3A_252 = arith.constant 0 : i32
    %dma_start3A_253 = arith.constant 0 : i32
    %dma_start3A_254 = tpu.memref_slice %arg2[%dma_start3A_252, %dma_start3A_253] : memref<100000x1024xf32, #tpu.memory_space<hbm>> -> memref<100000x1024xf32, #tpu.memory_space<hbm>>
    tpu.enqueue_indirect_dma source(%dma_start3A_254 : memref<100000x1024xf32, #tpu.memory_space<hbm>>) target(%arg7 : memref<16x1024xf32, #tpu.memory_space<vmem>>) offsets(%dma_start3A_251 : memref<16xi32, #tpu.memory_space<vmem>>) semaphore(%arg13 : memref<!tpu.dma_semaphore, #tpu.memory_space<semaphore_mem>>)
    %dma_wait3A_255 = arith.constant 912 : i32
    %dma_wait3A_256 = tpu.memref_slice %arg5[%dma_wait3A_255] : memref<1024xi32, #tpu.memory_space<vmem>> -> memref<16xi32, #tpu.memory_space<vmem>>
    %dma_wait3A_257 = arith.constant 0 : i32
    %dma_wait3A_258 = arith.constant 0 : i32
    %dma_wait3A_259 = tpu.memref_slice %arg2[%dma_wait3A_257, %dma_wait3A_258] : memref<100000x1024xf32, #tpu.memory_space<hbm>> -> memref<100000x1024xf32, #tpu.memory_space<hbm>>
    tpu.wait_indirect_dma semaphore(%arg15 : memref<!tpu.dma_semaphore, #tpu.memory_space<semaphore_mem>>) src(%dma_wait3A_259 : memref<100000x1024xf32, #tpu.memory_space<hbm>>) dst(%arg9 : memref<16x1024xf32, #tpu.memory_space<vmem>>)
    %add3A_260 = arith.constant 912 : i32
    %add3A_261 = arith.addi %mul3A_2, %add3A_260 : i32
    %dma_start3A_262 = arith.constant 0 : i32
    %dma_start3A_263 = tpu.memref_slice %arg4[%add3A_261, %dma_start3A_262] : memref<32768x1024xf32, #tpu.memory_space<hbm>> -> memref<16x1024xf32, #tpu.memory_space<hbm>>
    %dma_start3A_264 = arith.constant 0 : i32
    %dma_start3A_265 = tpu.memref_slice %arg4[%add3A_261, %dma_start3A_264] : memref<32768x1024xf32, #tpu.memory_space<hbm>> -> memref<16x1024xf32, #tpu.memory_space<hbm>>
    tpu.enqueue_dma source(%arg9 : memref<16x1024xf32, #tpu.memory_space<vmem>>) target(%dma_start3A_265 : memref<16x1024xf32, #tpu.memory_space<hbm>>) target_semaphore(%arg21 : memref<!tpu.dma_semaphore, #tpu.memory_space<semaphore_mem>>)
    %add3A_266 = arith.constant 896 : i32
    %add3A_267 = arith.addi %mul3A_2, %add3A_266 : i32
    %dma_wait3A_268 = arith.constant 0 : i32
    %dma_wait3A_269 = tpu.memref_slice %arg4[%add3A_267, %dma_wait3A_268] : memref<32768x1024xf32, #tpu.memory_space<hbm>> -> memref<16x1024xf32, #tpu.memory_space<hbm>>
    %dma_wait3A_270 = arith.constant 0 : i32
    %dma_wait3A_271 = tpu.memref_slice %arg4[%add3A_267, %dma_wait3A_270] : memref<32768x1024xf32, #tpu.memory_space<hbm>> -> memref<16x1024xf32, #tpu.memory_space<hbm>>
    tpu.wait_dma2 semaphore(%arg20 : memref<!tpu.dma_semaphore, #tpu.memory_space<semaphore_mem>>) src(%arg8 : memref<16x1024xf32, #tpu.memory_space<vmem>>) dst(%dma_wait3A_271 : memref<16x1024xf32, #tpu.memory_space<hbm>>)
    %dma_start3A_272 = arith.constant 992 : i32
    %dma_start3A_273 = tpu.memref_slice %arg5[%dma_start3A_272] : memref<1024xi32, #tpu.memory_space<vmem>> -> memref<16xi32, #tpu.memory_space<vmem>>
    %dma_start3A_274 = arith.constant 0 : i32
    %dma_start3A_275 = arith.constant 0 : i32
    %dma_start3A_276 = tpu.memref_slice %arg2[%dma_start3A_274, %dma_start3A_275] : memref<100000x1024xf32, #tpu.memory_space<hbm>> -> memref<100000x1024xf32, #tpu.memory_space<hbm>>
    tpu.enqueue_indirect_dma source(%dma_start3A_276 : memref<100000x1024xf32, #tpu.memory_space<hbm>>) target(%arg8 : memref<16x1024xf32, #tpu.memory_space<vmem>>) offsets(%dma_start3A_273 : memref<16xi32, #tpu.memory_space<vmem>>) semaphore(%arg14 : memref<!tpu.dma_semaphore, #tpu.memory_space<semaphore_mem>>)
    %dma_wait3A_277 = arith.constant 928 : i32
    %dma_wait3A_278 = tpu.memref_slice %arg5[%dma_wait3A_277] : memref<1024xi32, #tpu.memory_space<vmem>> -> memref<16xi32, #tpu.memory_space<vmem>>
    %dma_wait3A_279 = arith.constant 0 : i32
    %dma_wait3A_280 = arith.constant 0 : i32
    %dma_wait3A_281 = tpu.memref_slice %arg2[%dma_wait3A_279, %dma_wait3A_280] : memref<100000x1024xf32, #tpu.memory_space<hbm>> -> memref<100000x1024xf32, #tpu.memory_space<hbm>>
    tpu.wait_indirect_dma semaphore(%arg16 : memref<!tpu.dma_semaphore, #tpu.memory_space<semaphore_mem>>) src(%dma_wait3A_281 : memref<100000x1024xf32, #tpu.memory_space<hbm>>) dst(%arg10 : memref<16x1024xf32, #tpu.memory_space<vmem>>)
    %add3A_282 = arith.constant 928 : i32
    %add3A_283 = arith.addi %mul3A_2, %add3A_282 : i32
    %dma_start3A_284 = arith.constant 0 : i32
    %dma_start3A_285 = tpu.memref_slice %arg4[%add3A_283, %dma_start3A_284] : memref<32768x1024xf32, #tpu.memory_space<hbm>> -> memref<16x1024xf32, #tpu.memory_space<hbm>>
    %dma_start3A_286 = arith.constant 0 : i32
    %dma_start3A_287 = tpu.memref_slice %arg4[%add3A_283, %dma_start3A_286] : memref<32768x1024xf32, #tpu.memory_space<hbm>> -> memref<16x1024xf32, #tpu.memory_space<hbm>>
    tpu.enqueue_dma source(%arg10 : memref<16x1024xf32, #tpu.memory_space<vmem>>) target(%dma_start3A_287 : memref<16x1024xf32, #tpu.memory_space<hbm>>) target_semaphore(%arg22 : memref<!tpu.dma_semaphore, #tpu.memory_space<semaphore_mem>>)
    %add3A_288 = arith.constant 912 : i32
    %add3A_289 = arith.addi %mul3A_2, %add3A_288 : i32
    %dma_wait3A_290 = arith.constant 0 : i32
    %dma_wait3A_291 = tpu.memref_slice %arg4[%add3A_289, %dma_wait3A_290] : memref<32768x1024xf32, #tpu.memory_space<hbm>> -> memref<16x1024xf32, #tpu.memory_space<hbm>>
    %dma_wait3A_292 = arith.constant 0 : i32
    %dma_wait3A_293 = tpu.memref_slice %arg4[%add3A_289, %dma_wait3A_292] : memref<32768x1024xf32, #tpu.memory_space<hbm>> -> memref<16x1024xf32, #tpu.memory_space<hbm>>
    tpu.wait_dma2 semaphore(%arg21 : memref<!tpu.dma_semaphore, #tpu.memory_space<semaphore_mem>>) src(%arg9 : memref<16x1024xf32, #tpu.memory_space<vmem>>) dst(%dma_wait3A_293 : memref<16x1024xf32, #tpu.memory_space<hbm>>)
    %dma_start3A_294 = arith.constant 1008 : i32
    %dma_start3A_295 = tpu.memref_slice %arg5[%dma_start3A_294] : memref<1024xi32, #tpu.memory_space<vmem>> -> memref<16xi32, #tpu.memory_space<vmem>>
    %dma_start3A_296 = arith.constant 0 : i32
    %dma_start3A_297 = arith.constant 0 : i32
    %dma_start3A_298 = tpu.memref_slice %arg2[%dma_start3A_296, %dma_start3A_297] : memref<100000x1024xf32, #tpu.memory_space<hbm>> -> memref<100000x1024xf32, #tpu.memory_space<hbm>>
    tpu.enqueue_indirect_dma source(%dma_start3A_298 : memref<100000x1024xf32, #tpu.memory_space<hbm>>) target(%arg9 : memref<16x1024xf32, #tpu.memory_space<vmem>>) offsets(%dma_start3A_295 : memref<16xi32, #tpu.memory_space<vmem>>) semaphore(%arg15 : memref<!tpu.dma_semaphore, #tpu.memory_space<semaphore_mem>>)
    %dma_wait3A_299 = arith.constant 944 : i32
    %dma_wait3A_300 = tpu.memref_slice %arg5[%dma_wait3A_299] : memref<1024xi32, #tpu.memory_space<vmem>> -> memref<16xi32, #tpu.memory_space<vmem>>
    %dma_wait3A_301 = arith.constant 0 : i32
    %dma_wait3A_302 = arith.constant 0 : i32
    %dma_wait3A_303 = tpu.memref_slice %arg2[%dma_wait3A_301, %dma_wait3A_302] : memref<100000x1024xf32, #tpu.memory_space<hbm>> -> memref<100000x1024xf32, #tpu.memory_space<hbm>>
    tpu.wait_indirect_dma semaphore(%arg17 : memref<!tpu.dma_semaphore, #tpu.memory_space<semaphore_mem>>) src(%dma_wait3A_303 : memref<100000x1024xf32, #tpu.memory_space<hbm>>) dst(%arg11 : memref<16x1024xf32, #tpu.memory_space<vmem>>)
    %add3A_304 = arith.constant 944 : i32
    %add3A_305 = arith.addi %mul3A_2, %add3A_304 : i32
    %dma_start3A_306 = arith.constant 0 : i32
    %dma_start3A_307 = tpu.memref_slice %arg4[%add3A_305, %dma_start3A_306] : memref<32768x1024xf32, #tpu.memory_space<hbm>> -> memref<16x1024xf32, #tpu.memory_space<hbm>>
    %dma_start3A_308 = arith.constant 0 : i32
    %dma_start3A_309 = tpu.memref_slice %arg4[%add3A_305, %dma_start3A_308] : memref<32768x1024xf32, #tpu.memory_space<hbm>> -> memref<16x1024xf32, #tpu.memory_space<hbm>>
    tpu.enqueue_dma source(%arg11 : memref<16x1024xf32, #tpu.memory_space<vmem>>) target(%dma_start3A_309 : memref<16x1024xf32, #tpu.memory_space<hbm>>) target_semaphore(%arg23 : memref<!tpu.dma_semaphore, #tpu.memory_space<semaphore_mem>>)
    %dma_wait3A_310 = arith.constant 960 : i32
    %dma_wait3A_311 = tpu.memref_slice %arg5[%dma_wait3A_310] : memref<1024xi32, #tpu.memory_space<vmem>> -> memref<16xi32, #tpu.memory_space<vmem>>
    %dma_wait3A_312 = arith.constant 0 : i32
    %dma_wait3A_313 = arith.constant 0 : i32
    %dma_wait3A_314 = tpu.memref_slice %arg2[%dma_wait3A_312, %dma_wait3A_313] : memref<100000x1024xf32, #tpu.memory_space<hbm>> -> memref<100000x1024xf32, #tpu.memory_space<hbm>>
    tpu.wait_indirect_dma semaphore(%arg12 : memref<!tpu.dma_semaphore, #tpu.memory_space<semaphore_mem>>) src(%dma_wait3A_314 : memref<100000x1024xf32, #tpu.memory_space<hbm>>) dst(%arg6 : memref<16x1024xf32, #tpu.memory_space<vmem>>)
    %add3A_315 = arith.constant 960 : i32
    %add3A_316 = arith.addi %mul3A_2, %add3A_315 : i32
    %dma_start3A_317 = arith.constant 0 : i32
    %dma_start3A_318 = tpu.memref_slice %arg4[%add3A_316, %dma_start3A_317] : memref<32768x1024xf32, #tpu.memory_space<hbm>> -> memref<16x1024xf32, #tpu.memory_space<hbm>>
    %dma_start3A_319 = arith.constant 0 : i32
    %dma_start3A_320 = tpu.memref_slice %arg4[%add3A_316, %dma_start3A_319] : memref<32768x1024xf32, #tpu.memory_space<hbm>> -> memref<16x1024xf32, #tpu.memory_space<hbm>>
    tpu.enqueue_dma source(%arg6 : memref<16x1024xf32, #tpu.memory_space<vmem>>) target(%dma_start3A_320 : memref<16x1024xf32, #tpu.memory_space<hbm>>) target_semaphore(%arg18 : memref<!tpu.dma_semaphore, #tpu.memory_space<semaphore_mem>>)
    %dma_wait3A_321 = arith.constant 976 : i32
    %dma_wait3A_322 = tpu.memref_slice %arg5[%dma_wait3A_321] : memref<1024xi32, #tpu.memory_space<vmem>> -> memref<16xi32, #tpu.memory_space<vmem>>
    %dma_wait3A_323 = arith.constant 0 : i32
    %dma_wait3A_324 = arith.constant 0 : i32
    %dma_wait3A_325 = tpu.memref_slice %arg2[%dma_wait3A_323, %dma_wait3A_324] : memref<100000x1024xf32, #tpu.memory_space<hbm>> -> memref<100000x1024xf32, #tpu.memory_space<hbm>>
    tpu.wait_indirect_dma semaphore(%arg13 : memref<!tpu.dma_semaphore, #tpu.memory_space<semaphore_mem>>) src(%dma_wait3A_325 : memref<100000x1024xf32, #tpu.memory_space<hbm>>) dst(%arg7 : memref<16x1024xf32, #tpu.memory_space<vmem>>)
    %add3A_326 = arith.constant 976 : i32
    %add3A_327 = arith.addi %mul3A_2, %add3A_326 : i32
    %dma_start3A_328 = arith.constant 0 : i32
    %dma_start3A_329 = tpu.memref_slice %arg4[%add3A_327, %dma_start3A_328] : memref<32768x1024xf32, #tpu.memory_space<hbm>> -> memref<16x1024xf32, #tpu.memory_space<hbm>>
    %dma_start3A_330 = arith.constant 0 : i32
    %dma_start3A_331 = tpu.memref_slice %arg4[%add3A_327, %dma_start3A_330] : memref<32768x1024xf32, #tpu.memory_space<hbm>> -> memref<16x1024xf32, #tpu.memory_space<hbm>>
    tpu.enqueue_dma source(%arg7 : memref<16x1024xf32, #tpu.memory_space<vmem>>) target(%dma_start3A_331 : memref<16x1024xf32, #tpu.memory_space<hbm>>) target_semaphore(%arg19 : memref<!tpu.dma_semaphore, #tpu.memory_space<semaphore_mem>>)
    %dma_wait3A_332 = arith.constant 992 : i32
    %dma_wait3A_333 = tpu.memref_slice %arg5[%dma_wait3A_332] : memref<1024xi32, #tpu.memory_space<vmem>> -> memref<16xi32, #tpu.memory_space<vmem>>
    %dma_wait3A_334 = arith.constant 0 : i32
    %dma_wait3A_335 = arith.constant 0 : i32
    %dma_wait3A_336 = tpu.memref_slice %arg2[%dma_wait3A_334, %dma_wait3A_335] : memref<100000x1024xf32, #tpu.memory_space<hbm>> -> memref<100000x1024xf32, #tpu.memory_space<hbm>>
    tpu.wait_indirect_dma semaphore(%arg14 : memref<!tpu.dma_semaphore, #tpu.memory_space<semaphore_mem>>) src(%dma_wait3A_336 : memref<100000x1024xf32, #tpu.memory_space<hbm>>) dst(%arg8 : memref<16x1024xf32, #tpu.memory_space<vmem>>)
    %add3A_337 = arith.constant 992 : i32
    %add3A_338 = arith.addi %mul3A_2, %add3A_337 : i32
    %dma_start3A_339 = arith.constant 0 : i32
    %dma_start3A_340 = tpu.memref_slice %arg4[%add3A_338, %dma_start3A_339] : memref<32768x1024xf32, #tpu.memory_space<hbm>> -> memref<16x1024xf32, #tpu.memory_space<hbm>>
    %dma_start3A_341 = arith.constant 0 : i32
    %dma_start3A_342 = tpu.memref_slice %arg4[%add3A_338, %dma_start3A_341] : memref<32768x1024xf32, #tpu.memory_space<hbm>> -> memref<16x1024xf32, #tpu.memory_space<hbm>>
    tpu.enqueue_dma source(%arg8 : memref<16x1024xf32, #tpu.memory_space<vmem>>) target(%dma_start3A_342 : memref<16x1024xf32, #tpu.memory_space<hbm>>) target_semaphore(%arg20 : memref<!tpu.dma_semaphore, #tpu.memory_space<semaphore_mem>>)
    %dma_wait3A_343 = arith.constant 1008 : i32
    %dma_wait3A_344 = tpu.memref_slice %arg5[%dma_wait3A_343] : memref<1024xi32, #tpu.memory_space<vmem>> -> memref<16xi32, #tpu.memory_space<vmem>>
    %dma_wait3A_345 = arith.constant 0 : i32
    %dma_wait3A_346 = arith.constant 0 : i32
    %dma_wait3A_347 = tpu.memref_slice %arg2[%dma_wait3A_345, %dma_wait3A_346] : memref<100000x1024xf32, #tpu.memory_space<hbm>> -> memref<100000x1024xf32, #tpu.memory_space<hbm>>
    tpu.wait_indirect_dma semaphore(%arg15 : memref<!tpu.dma_semaphore, #tpu.memory_space<semaphore_mem>>) src(%dma_wait3A_347 : memref<100000x1024xf32, #tpu.memory_space<hbm>>) dst(%arg9 : memref<16x1024xf32, #tpu.memory_space<vmem>>)
    %add3A_348 = arith.constant 1008 : i32
    %add3A_349 = arith.addi %mul3A_2, %add3A_348 : i32
    %dma_start3A_350 = arith.constant 0 : i32
    %dma_start3A_351 = tpu.memref_slice %arg4[%add3A_349, %dma_start3A_350] : memref<32768x1024xf32, #tpu.memory_space<hbm>> -> memref<16x1024xf32, #tpu.memory_space<hbm>>
    %dma_start3A_352 = arith.constant 0 : i32
    %dma_start3A_353 = tpu.memref_slice %arg4[%add3A_349, %dma_start3A_352] : memref<32768x1024xf32, #tpu.memory_space<hbm>> -> memref<16x1024xf32, #tpu.memory_space<hbm>>
    tpu.enqueue_dma source(%arg9 : memref<16x1024xf32, #tpu.memory_space<vmem>>) target(%dma_start3A_353 : memref<16x1024xf32, #tpu.memory_space<hbm>>) target_semaphore(%arg21 : memref<!tpu.dma_semaphore, #tpu.memory_space<semaphore_mem>>)
    %add3A_354 = arith.constant 928 : i32
    %add3A_355 = arith.addi %mul3A_2, %add3A_354 : i32
    %dma_wait3A_356 = arith.constant 0 : i32
    %dma_wait3A_357 = tpu.memref_slice %arg4[%add3A_355, %dma_wait3A_356] : memref<32768x1024xf32, #tpu.memory_space<hbm>> -> memref<16x1024xf32, #tpu.memory_space<hbm>>
    %dma_wait3A_358 = arith.constant 0 : i32
    %dma_wait3A_359 = tpu.memref_slice %arg4[%add3A_355, %dma_wait3A_358] : memref<32768x1024xf32, #tpu.memory_space<hbm>> -> memref<16x1024xf32, #tpu.memory_space<hbm>>
    tpu.wait_dma2 semaphore(%arg22 : memref<!tpu.dma_semaphore, #tpu.memory_space<semaphore_mem>>) src(%arg10 : memref<16x1024xf32, #tpu.memory_space<vmem>>) dst(%dma_wait3A_359 : memref<16x1024xf32, #tpu.memory_space<hbm>>)
    %add3A_360 = arith.constant 944 : i32
    %add3A_361 = arith.addi %mul3A_2, %add3A_360 : i32
    %dma_wait3A_362 = arith.constant 0 : i32
    %dma_wait3A_363 = tpu.memref_slice %arg4[%add3A_361, %dma_wait3A_362] : memref<32768x1024xf32, #tpu.memory_space<hbm>> -> memref<16x1024xf32, #tpu.memory_space<hbm>>
    %dma_wait3A_364 = arith.constant 0 : i32
    %dma_wait3A_365 = tpu.memref_slice %arg4[%add3A_361, %dma_wait3A_364] : memref<32768x1024xf32, #tpu.memory_space<hbm>> -> memref<16x1024xf32, #tpu.memory_space<hbm>>
    tpu.wait_dma2 semaphore(%arg23 : memref<!tpu.dma_semaphore, #tpu.memory_space<semaphore_mem>>) src(%arg11 : memref<16x1024xf32, #tpu.memory_space<vmem>>) dst(%dma_wait3A_365 : memref<16x1024xf32, #tpu.memory_space<hbm>>)
    %add3A_366 = arith.constant 960 : i32
    %add3A_367 = arith.addi %mul3A_2, %add3A_366 : i32
    %dma_wait3A_368 = arith.constant 0 : i32
    %dma_wait3A_369 = tpu.memref_slice %arg4[%add3A_367, %dma_wait3A_368] : memref<32768x1024xf32, #tpu.memory_space<hbm>> -> memref<16x1024xf32, #tpu.memory_space<hbm>>
    %dma_wait3A_370 = arith.constant 0 : i32
    %dma_wait3A_371 = tpu.memref_slice %arg4[%add3A_367, %dma_wait3A_370] : memref<32768x1024xf32, #tpu.memory_space<hbm>> -> memref<16x1024xf32, #tpu.memory_space<hbm>>
    tpu.wait_dma2 semaphore(%arg18 : memref<!tpu.dma_semaphore, #tpu.memory_space<semaphore_mem>>) src(%arg6 : memref<16x1024xf32, #tpu.memory_space<vmem>>) dst(%dma_wait3A_371 : memref<16x1024xf32, #tpu.memory_space<hbm>>)
    %add3A_372 = arith.constant 976 : i32
    %add3A_373 = arith.addi %mul3A_2, %add3A_372 : i32
    %dma_wait3A_374 = arith.constant 0 : i32
    %dma_wait3A_375 = tpu.memref_slice %arg4[%add3A_373, %dma_wait3A_374] : memref<32768x1024xf32, #tpu.memory_space<hbm>> -> memref<16x1024xf32, #tpu.memory_space<hbm>>
    %dma_wait3A_376 = arith.constant 0 : i32
    %dma_wait3A_377 = tpu.memref_slice %arg4[%add3A_373, %dma_wait3A_376] : memref<32768x1024xf32, #tpu.memory_space<hbm>> -> memref<16x1024xf32, #tpu.memory_space<hbm>>
    tpu.wait_dma2 semaphore(%arg19 : memref<!tpu.dma_semaphore, #tpu.memory_space<semaphore_mem>>) src(%arg7 : memref<16x1024xf32, #tpu.memory_space<vmem>>) dst(%dma_wait3A_377 : memref<16x1024xf32, #tpu.memory_space<hbm>>)
    %add3A_378 = arith.constant 992 : i32
    %add3A_379 = arith.addi %mul3A_2, %add3A_378 : i32
    %dma_wait3A_380 = arith.constant 0 : i32
    %dma_wait3A_381 = tpu.memref_slice %arg4[%add3A_379, %dma_wait3A_380] : memref<32768x1024xf32, #tpu.memory_space<hbm>> -> memref<16x1024xf32, #tpu.memory_space<hbm>>
    %dma_wait3A_382 = arith.constant 0 : i32
    %dma_wait3A_383 = tpu.memref_slice %arg4[%add3A_379, %dma_wait3A_382] : memref<32768x1024xf32, #tpu.memory_space<hbm>> -> memref<16x1024xf32, #tpu.memory_space<hbm>>
    tpu.wait_dma2 semaphore(%arg20 : memref<!tpu.dma_semaphore, #tpu.memory_space<semaphore_mem>>) src(%arg8 : memref<16x1024xf32, #tpu.memory_space<vmem>>) dst(%dma_wait3A_383 : memref<16x1024xf32, #tpu.memory_space<hbm>>)
    %add3A_384 = arith.constant 1008 : i32
    %add3A_385 = arith.addi %mul3A_2, %add3A_384 : i32
    %dma_wait3A_386 = arith.constant 0 : i32
    %dma_wait3A_387 = tpu.memref_slice %arg4[%add3A_385, %dma_wait3A_386] : memref<32768x1024xf32, #tpu.memory_space<hbm>> -> memref<16x1024xf32, #tpu.memory_space<hbm>>
    %dma_wait3A_388 = arith.constant 0 : i32
    %dma_wait3A_389 = tpu.memref_slice %arg4[%add3A_385, %dma_wait3A_388] : memref<32768x1024xf32, #tpu.memory_space<hbm>> -> memref<16x1024xf32, #tpu.memory_space<hbm>>
    tpu.wait_dma2 semaphore(%arg21 : memref<!tpu.dma_semaphore, #tpu.memory_space<semaphore_mem>>) src(%arg9 : memref<16x1024xf32, #tpu.memory_space<vmem>>) dst(%dma_wait3A_389 : memref<16x1024xf32, #tpu.memory_space<hbm>>)
    return
  }
}

</mosaic_0001>

<sc_bundles>
// kernel: kernel.3.cloned.1.call-start
scs
__scs_entry_jumppad:
0x0: {  	(pc) =	sbr.rel $0x88, $3  }
0x1: {  	(tag) =	ssettag $0x0;
	lr =	simm.s32 $0x1  }
0x2: {  	[smem:$0x3F9F] =	sst lr;
	_ =	strace $0xD0000000  }
0x3: {  	_ = 	snop  }
0x4: {  	_ = 	snop  }
0x5: {  	_ = 	snop  }
0x6: {  	_ = 	snop  }
0x7: {  	_ = 	snop  }
__scs_overlays_trampoline_lowered:
0x8: {  	[smem:$0x3FAE] =	sst s0  }
0x9: {  	[smem:$0x3FAF] =	sst s1  }
0xa: {  	[smem:$0x3FB0] =	sst s2  }
0xb: {  	[smem:$0x3FB1] =	sst s3  }
0xc: {  	[smem:$0x3FB2] =	sst s4  }
0xd: {  	[smem:$0x3FB3] =	sst s5  }
0xe: {  	[smem:$0x3FB4] =	sst s6  }
0xf: {  	[smem:$0x3FB5] =	sst s7  }
0x10: {  	[smem:$0x3FB6] =	sst s8  }
0x11: {  	[smem:$0x3FB7] =	sst s9;
	s0 =	simm.s32 @!p0 $0x0  }
0x12: {  	s1 =	sld [smem:$0x3F9D];
	s0 =	simm.s32 @p0 $0x1  }
0x13: {  	[smem:$0x3FB8] =	sst s0;
	s0 =	simm.s32 @!p1 $0x0  }
0x14: {  	s2 =	sld [smem:$0x3F9C];
	s0 =	simm.s32 @p1 $0x1  }
0x15: {  	[smem:$0x3FB9] =	sst s0;
	s0 =	simm.s32 @!p2 $0x0  }
0x16: {  	s3 =	sld [smem:$0x3FDB];
	s0 =	simm.s32 @p2 $0x1  }
0x17: {  	s4 =	simm.s32 $0x1BF5;
	[smem:$0x3FBB] =	sst s0  }
0x18: {  	s0 =	sld [smem:$0x3F9E];
	_ =	swait.ge [sflag:s4], $0x0  }
0x19: {  	s7 =	sld [smem:$0x3F9F]  }
0x1a: {  	s8 =	sadd.s32 $0xFFFFE003, lr  }
0x1b: {  	s9 =	sadd.s32 $0xFFFFFEF7, lr;
	s5 =	simm.s32 $0xFFFFFFFF;
	p2 =	slt.u32 s8, $0xFFFFF086  }
0x1c: {  	p1 =	slt.u32 s9, $0xF7A;
	s5 =	simm.s32 @!p2 $0x0  }
0x1d: {  	s5 =	simm.s32 @p1 $0x1;
	p0 =	seq.s32 s7, s2  }
0x1e: {  	s7 =	smul.u32 @!p0 $0xF7A, s2;
	p2 =	seq.s32 @!p0 s5, $0x0  }
0x1f: {  	s9 =	smul.u32 $0xF7A, s1;
	s8 =	simm.s32 @!p0 $0x1BF5;
	p2 =	por !p2, p0  }
0x20: {  	[sflag:s8] =	ssyncset.s32 @!p0 $0xFFFFF086;
	s6 =	sadd.s32 @!p0 s3, s7;
	s7 =	simm.s32 @!p0 $0x108  }
0x21: {  	s3 =	sadd.s32 s3, s9;
	s6 =	sadd.s32 @!p0 $0x88, s6;
	s7 =	simm.s32 @p2 $0x1082  }
0x22: {  	[simem:s7], [sflag:s8] =	dma.local @!p0 [hbm:s6], $0xF7A  }
0x23: {  	s9 =	sor.u32 $0xD0000000, s2;
	s6 =	simm.s32 $0x108;
	_ =	swait.ge @!p0 [sflag:s8], $0x0  }
0x24: {  	s3 =	sadd.s32 $0x88, s3;
	s6 =	simm.s32 @!p1 $0x1082;
	[sflag:s4] =	ssyncset.s32 $0xFFFFF086  }
0x25: {  	[simem:s6], [sflag:s4] =	dma.local [hbm:s3], $0xF7A  }
0x26: {  	[smem:$0x3F9F] =	sst s1;
	(tag) =	ssettag s2;
	_ =	strace s9  }
0x27: {  	s1 =	sld [smem:$0x3FAF]  }
0x28: {  	s2 =	sld [smem:$0x3FB0]  }
0x29: {  	s4 =	sld [smem:$0x3FB2]  }
0x2a: {  	p0 =	seq.s32 s5, $0x0;
	s5 =	sld [smem:$0x3FB3]  }
0x2b: {  	s6 =	sld [smem:$0x3FB4]  }
0x2c: {  	s7 =	sld [smem:$0x3FB5]  }
0x2d: {  	s3 =	simm.s32 $0x108;
	s8 =	sld [smem:$0x3FB6]  }
0x2e: {  	s3 =	simm.s32 @!p0 $0x1082;
	s9 =	sld [smem:$0x3FB7]  }
0x2f: {  	lr =	sadd.s32 s0, s3;
	s0 =	sld [smem:$0x3FAE]  }
0x30: {  	s3 =	sld [smem:$0x3FB1]  }
0x31: {  	[smem:$0x3FBA] =	sst s10  }
0x32: {  	s10 =	sld [smem:$0x3FB8];
	_ =	sdelay $0x3  }
0x33: {  	p0 =	seq.s32 s10, $0x1;
	s10 =	sld [smem:$0x3FBA];
	_ =	sdelay $0x3  }
0x34: {  	[smem:$0x3FBA] =	sst s10  }
0x35: {  	s10 =	sld [smem:$0x3FB9];
	_ =	sdelay $0x3  }
0x36: {  	p1 =	seq.s32 s10, $0x1;
	s10 =	sld [smem:$0x3FBA];
	_ =	sdelay $0x3  }
0x37: {  	[smem:$0x3FBA] =	sst s10  }
0x38: {  	s10 =	sld [smem:$0x3FBB]  }
0x39: {  	_ = 	snop;
	(pc) =	sbr.ind lr, $3  }
0x3a: {  	_ = 	snop  }
0x3b: {  	_ = 	snop  }
0x3c: {  	p2 =	seq.s32 s10, $0x1;
	s10 =	sld [smem:$0x3FBA]  }
0x3d: {  	_ =	shalt  }
0x3e: {  	_ =	shalt  }
0x3f: {  	_ =	shalt  }
0x40: {  	_ =	shalt  }
0x41: {  	_ =	shalt  }
0x42: {  	_ =	shalt  }
0x43: {  	_ =	shalt  }
0x44: {  	_ =	shalt  }
0x45: {  	_ =	shalt  }
0x46: {  	_ =	shalt  }
0x47: {  	_ =	shalt  }
0x48: {  	_ =	shalt  }
0x49: {  	_ =	shalt  }
0x4a: {  	_ =	shalt  }
0x4b: {  	_ =	shalt  }
0x4c: {  	_ =	shalt  }
0x4d: {  	_ =	shalt  }
0x4e: {  	_ =	shalt  }
0x4f: {  	_ =	shalt  }
0x50: {  	_ =	shalt  }
0x51: {  	_ =	shalt  }
0x52: {  	_ =	shalt  }
0x53: {  	_ =	shalt  }
0x54: {  	_ =	shalt  }
0x55: {  	_ =	shalt  }
0x56: {  	_ =	shalt  }
0x57: {  	_ =	shalt  }
0x58: {  	_ =	shalt  }
0x59: {  	_ =	shalt  }
0x5a: {  	_ =	shalt  }
0x5b: {  	_ =	shalt  }
0x5c: {  	_ =	shalt  }
0x5d: {  	_ =	shalt  }
0x5e: {  	_ =	shalt  }
0x5f: {  	_ =	shalt  }
0x60: {  	_ =	shalt  }
0x61: {  	_ =	shalt  }
0x62: {  	_ =	shalt  }
0x63: {  	_ =	shalt  }
0x64: {  	_ =	shalt  }
0x65: {  	_ =	shalt  }
0x66: {  	_ =	shalt  }
0x67: {  	_ =	shalt  }
0x68: {  	_ =	shalt  }
0x69: {  	_ =	shalt  }
0x6a: {  	_ =	shalt  }
0x6b: {  	_ =	shalt  }
0x6c: {  	_ =	shalt  }
0x6d: {  	_ =	shalt  }
0x6e: {  	_ =	shalt  }
0x6f: {  	_ =	shalt  }
0x70: {  	_ =	shalt  }
0x71: {  	_ =	shalt  }
0x72: {  	_ =	shalt  }
0x73: {  	_ =	shalt  }
0x74: {  	_ =	shalt  }
0x75: {  	_ =	shalt  }
0x76: {  	_ =	shalt  }
0x77: {  	_ =	shalt  }
0x78: {  	_ =	shalt  }
0x79: {  	_ =	shalt  }
0x7a: {  	_ =	shalt  }
0x7b: {  	_ =	shalt  }
0x7c: {  	_ =	shalt  }
0x7d: {  	_ =	shalt  }
0x7e: {  	_ =	shalt  }
0x7f: {  	_ =	shalt  }
0x80: {  	_ =	shalt  }
0x81: {  	_ =	shalt  }
0x82: {  	_ =	shalt  }
0x83: {  	_ =	shalt  }
0x84: {  	_ =	shalt  }
0x85: {  	_ =	shalt  }
0x86: {  	_ =	shalt  }
0x87: {  	_ =	shalt  }
.Lfunc_end0:
.L_simem_size_0:
called_computation_lowered:
.L_overlay_start_0:
0x88: {  	s2 =	sld [smem:$0x3FD9]  }
0x89: {  	s3 =	sld [smem:$0x3FFE];
	_ =	sdelay $0x1  }
0x8a: {  	s1 =	srdreg.scid  }
0x8b: {  	s0 =	sand.u32 $0x1, s1  }
0x8c: {  	s18 =	sshll.u32 s0, $0xA;
	s2 =	sadd.s32 s3, s2  }
0x8d: {  	s2 =	sadd.s32 s2, s18  }
0x8e: {  	[smem:$0x3FC6] =	sst s2  }
0x8f: {  	_ = 	snop  }
0x90: {  	s2 =	sld [smem:$0x3FC9]  }
0x91: {  	s19 =	sld [smem:$0x3FC8]  }
0x92: {  	s4 =	sld [smem:$0x3FD0];
	(tm) =	ssettm $0x1  }
0x93: {  	s5 =	sld [smem:$0x3FFB];
	_ =	sdelay $0x3  }
0x94: {  	_ =	strace s5  }
0x95: {  	s5 =	sld [smem:$0x3FFC];
	_ =	sdelay $0x3  }
0x96: {  	_ =	strace s5  }
0x97: {  	s5 =	sld [smem:$0x3FFD];
	_ =	sdelay $0x3  }
0x98: {  	_ =	strace s5  }
0x99: {  	_ =	strace $0x8FFFFFFF  }
0x9a: {  	s20 =	sld [smem:$0x3FDB];
	_ =	sdelay $0x1  }
0x9b: {  	s6 =	simm.s32 $_scs_section_size  }
0x9c: {  	s7 =	simm.s32 $_size__tile_overlayer_lowered;
	s8 =	simm.s32 $_tile_overlayer_lowered  }
0x9d: {  	s23 =	simm.s32 $0x1BFF;
	s22 =	sshll.u32 s8, $0x1;
	s5 =	sadd.s32 s6, s20  }
0x9e: {  	s9 =	simm.s32 $0x0;
	s21 =	sshll.u32 s7, $0x1;
	s7 =	sadd.s32 s22, s5  }
0x9f: {  	[timem:s9], [sflag:s23] =	dma.local [hbm:s7], s21  }
0xa0: {  	_ =	swait.ge [sflag:s23], s21  }
0xa1: {  	s6 =	ssub.s32 $0x0, s21;
	[sflag:s23] =	ssyncset.done $0x0  }
0xa2: {  	[sflag:s23] =	ssyncadd.s32 s6;
	_ =	sdelay $0x1  }
0xa3: {  	s24 =	simm.s32 $0x1B8B  }
0xa4: {  	_ =	swait.ge [sflag:s24], $0x1  }
0xa5: {  	[sflag:s24] =	ssyncset.done $0x0  }
0xa6: {  	s25 =	simm.s32 $0x1B8E;
	[sflag:s24] =	ssyncadd.s32 $0xFFFFFFFF  }
0xa7: {  	s26 =	simm.s32 $execute0_lowered;
	[smem:$0x3FD2] =	sst s25  }
0xa8: {  	s6 =	sshll.u32 s26, $0x1;
	_ =	strace $0x80000046;
	[dreg:$0x1] =	wrdreg $0xFFFFFFFF  }
0xa9: {  	s28 =	simm.s32 $_size_execute0_lowered;
	s5 =	sadd.s32 s5, s6;
	[dreg:$0x0] =	wrdreg $0x0  }
0xaa: {  	s6 =	sshll.u32 s28, $0x1;
	[dreg:$0x2] =	wrdreg s5  }
0xab: {  	[dreg:$0x3] =	wrdreg s6  }
0xac: {  	[dreg:$0x4] =	wrdreg $0xC0  }
0xad: {  	_ =	task [dreg:s9], $0x5FFFF  }
0xae: {  	[dreg:$0x1] =	wrdreg $0xFFFFFFFF  }
0xaf: {  	[dreg:$0x0] =	wrdreg $0x60  }
0xb0: {  	[dreg:$0x2] =	wrdreg s19  }
0xb1: {  	[dreg:$0x3] =	wrdreg s2  }
0xb2: {  	[dreg:$0x4] =	wrdreg s4  }
0xb3: {  	[dreg:$0x5] =	wrdreg $0x9  }
0xb4: {  	_ =	task.clear_ibuf [dreg:s9], $0x6FFFF;
	_ =	strace $0x90000046  }
0xb5: {  	s29 =	simm.s32 $0x9;
	_ =	strace $0x80000048  }
0xb6: {  	_ =	swait.ge [sflag:s29], $0x1  }
0xb7: {  	[sflag:s29] =	ssyncadd.s32 $0xFFFFFFFF  }
0xb8: {  	_ =	strace $0x90000048  }
0xb9: {  	_ =	sfence  }
0xba: {  	s30 =	sld [smem:$0x0];
	_ =	sdelay $0x2  }
0xbb: {  	s31 =	sshll.u32 s1, $0xD;
	s1 =	sshrl.u32 s1, $0x2  }
0xbc: {  	s3 =	sand.u32 $0x4000, s31;
	s1 =	sadd.s32 s1, s30  }
0xbd: {  	s0 =	sor.u32 s3, s0;
	s1 =	sshll.u32 s1, $0x11  }
0xbe: {  	s0 =	sor.u32 s1, s0  }
0xbf: {  	s0 =	sadd.s32 $0x8F2B, s0  }
0xc0: {  	[sflag:s0] =	ssyncadd.remote.s32 $0x1  }
0xc1: {  	_ =	sfence.sel $0xFFFF  }
0xc2: {  	[dreg:$0x0] =	wrdreg $0xFFFFFFFF;
	(pc) =	sbr.abs _section_cstart, $3  }
0xc3: {  	[dreg:$0x1] =	wrdreg $0xFFFFFFFF  }
0xc4: {  	_ =	task.clear_ibuf [dreg:s9], $0x2FFFF;
	_ =	strace $0x9FFFFFFF  }
0xc5: {  	(tm) =	ssettm $0x7FFFFFFF  }
tec
execute0_lowered:
.L_overlay_start_1:
0x0: {  	(tag) =	ssettag $0x1  }
0x1: {  	s1 =	rddreg [dreg:$0x0]  }
0x2: {  	s0 =	rddreg [dreg:$0x1]  }
0x3: {  	s2 =	rddreg [dreg:$0x2];
	s3 =	simm.s32 $0x0;
	s4 =	srdreg.scid  }
0x4: {  	s10 =	stileid.u32;
	[smem:$0x7FF] =	sst s3;
	s4 =	sand.u32 $0x1, s4  }
0x5: {  	s6 =	sshll.u32 s10, $0x1;
	s8 =	sshll.u32 s10, $0x2;
	s5 =	ssub.s32 $0x2, s4  }
0x6: {  	s6 =	sor.u32 s4, s6;
	s26 =	sand.u32 $0x30, s8;
	s7 =	sshrl.u32 s5, $0x1  }
0x7: {  	s25 =	sshll.u32 s6, $0x9;
	s0 =	sadd.s32 s0, s26;
	s6 =	sshll.u32 s6, $0x11  }
0x8: {  	s9 =	ssub.s32 s5, s7;
	s5 =	sand.u32 $0xE00, s25;
	s6 =	sadd.s32 s2, s6  }
0x9: {  	_ =	strace $0x80000047;
	s0 =	sadd.s32 s5, s0;
	[dreg:$0x6] =	wrdreg s6  }
0xa: {  	s29 =	sadd.s32 $0x800, s6;
	[dreg:$0x5] =	wrdreg s0  }
0xb: {  	s11 =	sadd.s32 $0x1000, s6;
	[dreg:$0x7] =	wrdreg s29  }
0xc: {  	s12 =	sadd.s32 $0x1800, s6;
	[dreg:$0x8] =	wrdreg s11  }
0xd: {  	s13 =	sadd.s32 $0x2000, s6;
	[dreg:$0x9] =	wrdreg s12  }
0xe: {  	s14 =	sadd.s32 $0x2800, s6;
	[dreg:$0xa] =	wrdreg s13  }
0xf: {  	s28 =	simm.s32 $0x5;
	s15 =	sadd.s32 $0x1B000, s6;
	[dreg:$0xb] =	wrdreg s14  }
0x10: {  	s30 =	simm.s32 $0x6;
	s16 =	sadd.s32 $0x1B800, s6;
	[dreg:$0xc] =	wrdreg s15  }
0x11: {  	s31 =	simm.s32 $0xC;
	s17 =	sadd.s32 $0x1C000, s6;
	[dreg:$0xd] =	wrdreg s16  }
0x12: {  	s22 =	sshll.u32 s10, $0x12;
	s18 =	sadd.s32 $0x1C800, s6;
	[dreg:$0xe] =	wrdreg s17  }
0x13: {  	s10 =	simm.s32 $0x3;
	s19 =	sadd.s32 $0x1D000, s6;
	[dreg:$0xf] =	wrdreg s18  }
0x14: {  	s8 =	sadd.s32 $0x300, s1;
	s20 =	sadd.s32 $0x1D800, s6;
	[dreg:$0x10] =	wrdreg s19  }
0x15: {  	s24 =	sshll.u32 s4, $0x11;
	s21 =	sadd.s32 $0x1E000, s6;
	[dreg:$0x11] =	wrdreg s20  }
0x16: {  	s7 =	sadd.s32 $0x200, s1;
	s23 =	sadd.s32 $0x1E800, s6;
	[dreg:$0x12] =	wrdreg s21  }
0x17: {  	s5 =	sadd.s32 $0x100, s1;
	s25 =	sadd.s32 $0x1F000, s6;
	[dreg:$0x13] =	wrdreg s23  }
0x18: {  	s26 =	sadd.s32 $0x1F800, s6;
	s0 =	sadd.s32 s22, s2;
	[dreg:$0x14] =	wrdreg s25  }
0x19: {  	[dreg:$0x15] =	wrdreg s26;
	s29 =	smax.u32 s9, $0x1;
	s14 =	simm.s32 $0x10C00  }
0x1a: {  	s21 =	simm.s32 $0x11400;
	s25 =	simm.s32 $0x11C00;
	s26 =	simm.s32 $0x12400  }
0x1b: {  	s16 =	simm.s32 $0x1;
	s15 =	simm.s32 $0x2;
	s22 =	simm.s32 $0x7  }
0x1c: {  	v2 =	vlaneseq.u32;
	s23 =	simm.s32 $0x8;
	s18 =	simm.s32 $0x9;
	s12 =	simm.s32 $0xA  }
0x1d: {  	vm0 =	vmmov $0xffff;
	v1 =	vshrl.u32 v2, $0x3;
	s19 =	simm.s32 $0xB;
	s0 =	sadd.s32 s24, s0;
	[dreg:$0x16] =	wrdreg s29  }
0x1e: {  	v0 =	vand.u32 $0x7, v2;
	v2 =	vor.u32 $0x8, v2;
	v1 =	vmul.u32 $0x8, v1;
	s2 =	simm.s32 $0x0;
	s24 =	simm.s32 $0x4;
	[dreg:$0x4] =	wrdreg s0  }
.LBB2_1:
0x1f: {  	[dreg:$0x17] =	wrdreg s2  }
0x20: {  	s0 =	rddreg [dreg:$0x5]  }
0x21: {  	s4 =	simm.s32 $0x80;
	s13 =	simm.s32 $0x200;
	s6 =	simm.s32 $0xD  }
0x22: {  	[tilespmem:s3], [sflag:$0xD] =	stream.strided.gather [hbm4b:s0+s4], $0x400, s13, s4, $0x38;
	[tilespmem:$0x18400] =	vst v63  }
0x23: {  	_ =	swait.ge [sflag:s6], $0x400  }
0x24: {  	[sflag:s6] =	ssyncset.done $0x0  }
0x25: {  	[sflag:s6] =	ssyncadd.s32 $0xFFFFFC00  }
0x26: {  	v3 =	vld [tilespmem:$0x0];
	_ =	sdelay $0x4  }
0x27: {  	v4 =	vshll.u32 v3, $0x3  }
0x28: {  	v3 =	vand.u32 $0x7, v3;
	v4 =	vand.u32 $0xFFFFFFC0, v4  }
0x29: {  	v3 =	vor.u32 v3, v4  }
0x2a: {  	v4 =	vperm.xlane v3, v0;
	_ =	sdelay $0x1  }
0x2b: {  	v4 =	vadd.s32 v1, v4;
	_ =	sdelay $0x3  }
0x2c: {  	s29 =	simm.s32 $0x400  }
0x2d: {  	[tilespmem:s29], [sflag:$0x1] =	stream.indirect_vreg.gather [hbm4b:s1+s3], $0x80, v4, vm0, $0xb8;
	[tilespmem:$0x18400] =	vst v63  }
0x2e: {  	s2 =	simm.s32 $0xC00;
	v3 =	vperm.xlane v3, v2  }
0x2f: {  	[tilespmem:s2], [sflag:$0x1] =	stream.indirect_vreg.gather [hbm4b:s5+s3], $0x80, v4, vm0, $0xb8;
	[tilespmem:$0x18400] =	vst v63  }
0x30: {  	s13 =	simm.s32 $0x1400;
	v3 =	vadd.s32 v1, v3  }
0x31: {  	[tilespmem:s13], [sflag:$0x1] =	stream.indirect_vreg.gather [hbm4b:s7+s3], $0x80, v4, vm0, $0xb8;
	[tilespmem:$0x18400] =	vst v63  }
0x32: {  	s20 =	simm.s32 $0x1C00  }
0x33: {  	[tilespmem:s20], [sflag:$0x1] =	stream.indirect_vreg.gather [hbm4b:s8+s3], $0x80, v4, vm0, $0xb8;
	[tilespmem:$0x18400] =	vst v63  }
0x34: {  	s9 =	simm.s32 $0x2400  }
0x35: {  	[tilespmem:s9], [sflag:$0x1] =	stream.indirect_vreg.gather [hbm4b:s1+s3], $0x80, v3, vm0, $0xb8;
	[tilespmem:$0x18400] =	vst v63  }
0x36: {  	s11 =	simm.s32 $0x2C00  }
0x37: {  	[tilespmem:s11], [sflag:$0x1] =	stream.indirect_vreg.gather [hbm4b:s5+s3], $0x80, v3, vm0, $0xb8;
	[tilespmem:$0x18400] =	vst v63  }
0x38: {  	s17 =	simm.s32 $0x3400  }
0x39: {  	[tilespmem:s17], [sflag:$0x1] =	stream.indirect_vreg.gather [hbm4b:s7+s3], $0x80, v3, vm0, $0xb8;
	[tilespmem:$0x18400] =	vst v63  }
0x3a: {  	s4 =	simm.s32 $0x3C00  }
0x3b: {  	[tilespmem:s4], [sflag:$0x1] =	stream.indirect_vreg.gather [hbm4b:s8+s3], $0x80, v3, vm0, $0xb8;
	[tilespmem:$0x18400] =	vst v63  }
0x3c: {  	v3 =	vld [tilespmem:$0x10];
	_ =	sdelay $0x4  }
0x3d: {  	v54 =	vshll.u32 v3, $0x3  }
0x3e: {  	v3 =	vand.u32 $0x7, v3;
	v4 =	vand.u32 $0xFFFFFFC0, v54  }
0x3f: {  	v3 =	vor.u32 v3, v4  }
0x40: {  	v4 =	vperm.xlane v3, v0;
	_ =	sdelay $0x1  }
0x41: {  	v4 =	vadd.s32 v1, v4;
	_ =	sdelay $0x3  }
0x42: {  	s9 =	simm.s32 $0x4400  }
0x43: {  	[tilespmem:s9], [sflag:$0x2] =	stream.indirect_vreg.gather [hbm4b:s1+s3], $0x80, v4, vm0, $0xb8;
	[tilespmem:$0x18400] =	vst v63  }
0x44: {  	s6 =	simm.s32 $0x4C00;
	v3 =	vperm.xlane v3, v2  }
0x45: {  	[tilespmem:s6], [sflag:$0x2] =	stream.indirect_vreg.gather [hbm4b:s5+s3], $0x80, v4, vm0, $0xb8;
	[tilespmem:$0x18400] =	vst v63  }
0x46: {  	s11 =	simm.s32 $0x5400;
	v3 =	vadd.s32 v1, v3  }
0x47: {  	[tilespmem:s11], [sflag:$0x2] =	stream.indirect_vreg.gather [hbm4b:s7+s3], $0x80, v4, vm0, $0xb8;
	[tilespmem:$0x18400] =	vst v63  }
0x48: {  	s17 =	simm.s32 $0x5C00  }
0x49: {  	[tilespmem:s17], [sflag:$0x2] =	stream.indirect_vreg.gather [hbm4b:s8+s3], $0x80, v4, vm0, $0xb8;
	[tilespmem:$0x18400] =	vst v63  }
0x4a: {  	s4 =	simm.s32 $0x6400  }
0x4b: {  	[tilespmem:s4], [sflag:$0x2] =	stream.indirect_vreg.gather [hbm4b:s1+s3], $0x80, v3, vm0, $0xb8;
	[tilespmem:$0x18400] =	vst v63  }
0x4c: {  	s6 =	simm.s32 $0x6C00  }
0x4d: {  	[tilespmem:s6], [sflag:$0x2] =	stream.indirect_vreg.gather [hbm4b:s5+s3], $0x80, v3, vm0, $0xb8;
	[tilespmem:$0x18400] =	vst v63  }
0x4e: {  	s11 =	simm.s32 $0x7400  }
0x4f: {  	[tilespmem:s11], [sflag:$0x2] =	stream.indirect_vreg.gather [hbm4b:s7+s3], $0x80, v3, vm0, $0xb8;
	[tilespmem:$0x18400] =	vst v63  }
0x50: {  	s17 =	simm.s32 $0x7C00  }
0x51: {  	[tilespmem:s17], [sflag:$0x2] =	stream.indirect_vreg.gather [hbm4b:s8+s3], $0x80, v3, vm0, $0xb8;
	[tilespmem:$0x18400] =	vst v63  }
0x52: {  	v3 =	vld [tilespmem:$0x20];
	_ =	sdelay $0x4  }
0x53: {  	v55 =	vshll.u32 v3, $0x3  }
0x54: {  	v3 =	vand.u32 $0x7, v3;
	v4 =	vand.u32 $0xFFFFFFC0, v55  }
0x55: {  	v3 =	vor.u32 v3, v4  }
0x56: {  	v4 =	vperm.xlane v3, v0;
	_ =	sdelay $0x1  }
0x57: {  	v4 =	vadd.s32 v1, v4;
	_ =	sdelay $0x3  }
0x58: {  	s17 =	simm.s32 $0x8400  }
0x59: {  	[tilespmem:s17], [sflag:$0x3] =	stream.indirect_vreg.gather [hbm4b:s1+s3], $0x80, v4, vm0, $0xb8;
	[tilespmem:$0x18400] =	vst v63  }
0x5a: {  	s4 =	simm.s32 $0x8C00;
	v3 =	vperm.xlane v3, v2  }
0x5b: {  	[tilespmem:s4], [sflag:$0x3] =	stream.indirect_vreg.gather [hbm4b:s5+s3], $0x80, v4, vm0, $0xb8;
	[tilespmem:$0x18400] =	vst v63  }
0x5c: {  	s6 =	simm.s32 $0x9400;
	v3 =	vadd.s32 v1, v3  }
0x5d: {  	[tilespmem:s6], [sflag:$0x3] =	stream.indirect_vreg.gather [hbm4b:s7+s3], $0x80, v4, vm0, $0xb8;
	[tilespmem:$0x18400] =	vst v63  }
0x5e: {  	s11 =	simm.s32 $0x9C00  }
0x5f: {  	[tilespmem:s11], [sflag:$0x3] =	stream.indirect_vreg.gather [hbm4b:s8+s3], $0x80, v4, vm0, $0xb8;
	[tilespmem:$0x18400] =	vst v63  }
0x60: {  	s4 =	simm.s32 $0xA400  }
0x61: {  	[tilespmem:s4], [sflag:$0x3] =	stream.indirect_vreg.gather [hbm4b:s1+s3], $0x80, v3, vm0, $0xb8;
	[tilespmem:$0x18400] =	vst v63  }
0x62: {  	s6 =	simm.s32 $0xAC00  }
0x63: {  	[tilespmem:s6], [sflag:$0x3] =	stream.indirect_vreg.gather [hbm4b:s5+s3], $0x80, v3, vm0, $0xb8;
	[tilespmem:$0x18400] =	vst v63  }
0x64: {  	s11 =	simm.s32 $0xB400  }
0x65: {  	[tilespmem:s11], [sflag:$0x3] =	stream.indirect_vreg.gather [hbm4b:s7+s3], $0x80, v3, vm0, $0xb8;
	[tilespmem:$0x18400] =	vst v63  }
0x66: {  	s4 =	simm.s32 $0xBC00  }
0x67: {  	[tilespmem:s4], [sflag:$0x3] =	stream.indirect_vreg.gather [hbm4b:s8+s3], $0x80, v3, vm0, $0xb8;
	[tilespmem:$0x18400] =	vst v63  }
0x68: {  	v3 =	vld [tilespmem:$0x30];
	_ =	sdelay $0x4  }
0x69: {  	v56 =	vshll.u32 v3, $0x3  }
0x6a: {  	v3 =	vand.u32 $0x7, v3;
	v4 =	vand.u32 $0xFFFFFFC0, v56  }
0x6b: {  	v3 =	vor.u32 v3, v4  }
0x6c: {  	v4 =	vperm.xlane v3, v0;
	_ =	sdelay $0x1  }
0x6d: {  	v4 =	vadd.s32 v1, v4;
	_ =	sdelay $0x3  }
0x6e: {  	s11 =	simm.s32 $0xC400  }
0x6f: {  	[tilespmem:s11], [sflag:$0x4] =	stream.indirect_vreg.gather [hbm4b:s1+s3], $0x80, v4, vm0, $0xb8;
	[tilespmem:$0x18400] =	vst v63  }
0x70: {  	s6 =	simm.s32 $0xCC00;
	v3 =	vperm.xlane v3, v2  }
0x71: {  	[tilespmem:s6], [sflag:$0x4] =	stream.indirect_vreg.gather [hbm4b:s5+s3], $0x80, v4, vm0, $0xb8;
	[tilespmem:$0x18400] =	vst v63  }
0x72: {  	s4 =	simm.s32 $0xD400;
	v3 =	vadd.s32 v1, v3  }
0x73: {  	[tilespmem:s4], [sflag:$0x4] =	stream.indirect_vreg.gather [hbm4b:s7+s3], $0x80, v4, vm0, $0xb8;
	[tilespmem:$0x18400] =	vst v63  }
0x74: {  	s6 =	simm.s32 $0xDC00  }
0x75: {  	[tilespmem:s6], [sflag:$0x4] =	stream.indirect_vreg.gather [hbm4b:s8+s3], $0x80, v4, vm0, $0xb8;
	[tilespmem:$0x18400] =	vst v63  }
0x76: {  	s4 =	simm.s32 $0xE400  }
0x77: {  	[tilespmem:s4], [sflag:$0x4] =	stream.indirect_vreg.gather [hbm4b:s1+s3], $0x80, v3, vm0, $0xb8;
	[tilespmem:$0x18400] =	vst v63  }
0x78: {  	s6 =	simm.s32 $0xEC00  }
0x79: {  	[tilespmem:s6], [sflag:$0x4] =	stream.indirect_vreg.gather [hbm4b:s5+s3], $0x80, v3, vm0, $0xb8;
	[tilespmem:$0x18400] =	vst v63  }
0x7a: {  	s4 =	simm.s32 $0xF400  }
0x7b: {  	[tilespmem:s4], [sflag:$0x4] =	stream.indirect_vreg.gather [hbm4b:s7+s3], $0x80, v3, vm0, $0xb8;
	[tilespmem:$0x18400] =	vst v63  }
0x7c: {  	s6 =	simm.s32 $0xFC00  }
0x7d: {  	[tilespmem:s6], [sflag:$0x4] =	stream.indirect_vreg.gather [hbm4b:s8+s3], $0x80, v3, vm0, $0xb8;
	[tilespmem:$0x18400] =	vst v63  }
0x7e: {  	v3 =	vld [tilespmem:$0x40];
	_ =	sdelay $0x4  }
0x7f: {  	v57 =	vshll.u32 v3, $0x3  }
0x80: {  	v3 =	vand.u32 $0x7, v3;
	v4 =	vand.u32 $0xFFFFFFC0, v57  }
0x81: {  	v3 =	vor.u32 v3, v4  }
0x82: {  	v4 =	vperm.xlane v3, v0;
	_ =	sdelay $0x1  }
0x83: {  	v4 =	vadd.s32 v1, v4;
	_ =	sdelay $0x3  }
0x84: {  	s4 =	simm.s32 $0x10400  }
0x85: {  	[tilespmem:s4], [sflag:$0x5] =	stream.indirect_vreg.gather [hbm4b:s1+s3], $0x80, v4, vm0, $0xb8;
	[tilespmem:$0x18400] =	vst v63  }
0x86: {  	v3 =	vperm.xlane v3, v2  }
0x87: {  	[tilespmem:s14], [sflag:$0x5] =	stream.indirect_vreg.gather [hbm4b:s5+s3], $0x80, v4, vm0, $0xb8;
	[tilespmem:$0x18400] =	vst v63  }
0x88: {  	v3 =	vadd.s32 v1, v3  }
0x89: {  	[tilespmem:s21], [sflag:$0x5] =	stream.indirect_vreg.gather [hbm4b:s7+s3], $0x80, v4, vm0, $0xb8;
	[tilespmem:$0x18400] =	vst v63  }
0x8a: {  	_ = 	snop  }
0x8b: {  	[tilespmem:s25], [sflag:$0x5] =	stream.indirect_vreg.gather [hbm4b:s8+s3], $0x80, v4, vm0, $0xb8;
	[tilespmem:$0x18400] =	vst v63  }
0x8c: {  	_ = 	snop  }
0x8d: {  	[tilespmem:s26], [sflag:$0x5] =	stream.indirect_vreg.gather [hbm4b:s1+s3], $0x80, v3, vm0, $0xb8;
	[tilespmem:$0x18400] =	vst v63  }
0x8e: {  	s25 =	simm.s32 $0x12C00  }
0x8f: {  	[tilespmem:s25], [sflag:$0x5] =	stream.indirect_vreg.gather [hbm4b:s5+s3], $0x80, v3, vm0, $0xb8;
	[tilespmem:$0x18400] =	vst v63  }
0x90: {  	s26 =	simm.s32 $0x13400  }
0x91: {  	[tilespmem:s26], [sflag:$0x5] =	stream.indirect_vreg.gather [hbm4b:s7+s3], $0x80, v3, vm0, $0xb8;
	[tilespmem:$0x18400] =	vst v63  }
0x92: {  	s6 =	simm.s32 $0x13C00  }
0x93: {  	[tilespmem:s6], [sflag:$0x5] =	stream.indirect_vreg.gather [hbm4b:s8+s3], $0x80, v3, vm0, $0xb8;
	[tilespmem:$0x18400] =	vst v63  }
0x94: {  	_ =	swait.ge [sflag:s16], $0x4000  }
0x95: {  	[sflag:s16] =	ssyncset.done $0x0  }
0x96: {  	s14 =	rddreg [dreg:$0x6];
	[sflag:s16] =	ssyncadd.s32 $0xFFFFC000  }
0x97: {  	[hbm4b:s14+s3] =	stream.linear.scatter [tilespmem:s29], [sflag:$0x7], $0x4000, $0x38;
	[tilespmem:$0x18400] =	vst v63  }
0x98: {  	v3 =	vld [tilespmem:$0x50];
	_ =	sdelay $0x4  }
0x99: {  	v58 =	vshll.u32 v3, $0x3  }
0x9a: {  	v3 =	vand.u32 $0x7, v3;
	v4 =	vand.u32 $0xFFFFFFC0, v58  }
0x9b: {  	v3 =	vor.u32 v3, v4  }
0x9c: {  	v4 =	vperm.xlane v3, v0;
	_ =	sdelay $0x1  }
0x9d: {  	v4 =	vadd.s32 v1, v4;
	_ =	sdelay $0x3  }
0x9e: {  	s6 =	simm.s32 $0x14400  }
0x9f: {  	[tilespmem:s6], [sflag:$0x6] =	stream.indirect_vreg.gather [hbm4b:s1+s3], $0x80, v4, vm0, $0xb8;
	[tilespmem:$0x18400] =	vst v63  }
0xa0: {  	s21 =	simm.s32 $0x14C00;
	v3 =	vperm.xlane v3, v2  }
0xa1: {  	[tilespmem:s21], [sflag:$0x6] =	stream.indirect_vreg.gather [hbm4b:s5+s3], $0x80, v4, vm0, $0xb8;
	[tilespmem:$0x18400] =	vst v63  }
0xa2: {  	s25 =	simm.s32 $0x15400;
	v3 =	vadd.s32 v1, v3  }
0xa3: {  	[tilespmem:s25], [sflag:$0x6] =	stream.indirect_vreg.gather [hbm4b:s7+s3], $0x80, v4, vm0, $0xb8;
	[tilespmem:$0x18400] =	vst v63  }
0xa4: {  	s26 =	simm.s32 $0x15C00  }
0xa5: {  	[tilespmem:s26], [sflag:$0x6] =	stream.indirect_vreg.gather [hbm4b:s8+s3], $0x80, v4, vm0, $0xb8;
	[tilespmem:$0x18400] =	vst v63  }
0xa6: {  	s14 =	simm.s32 $0x16400  }
0xa7: {  	[tilespmem:s14], [sflag:$0x6] =	stream.indirect_vreg.gather [hbm4b:s1+s3], $0x80, v3, vm0, $0xb8;
	[tilespmem:$0x18400] =	vst v63  }
0xa8: {  	s21 =	simm.s32 $0x16C00  }
0xa9: {  	[tilespmem:s21], [sflag:$0x6] =	stream.indirect_vreg.gather [hbm4b:s5+s3], $0x80, v3, vm0, $0xb8;
	[tilespmem:$0x18400] =	vst v63  }
0xaa: {  	s25 =	simm.s32 $0x17400  }
0xab: {  	[tilespmem:s25], [sflag:$0x6] =	stream.indirect_vreg.gather [hbm4b:s7+s3], $0x80, v3, vm0, $0xb8;
	[tilespmem:$0x18400] =	vst v63  }
0xac: {  	s26 =	simm.s32 $0x17C00  }
0xad: {  	[tilespmem:s26], [sflag:$0x6] =	stream.indirect_vreg.gather [hbm4b:s8+s3], $0x80, v3, vm0, $0xb8;
	[tilespmem:$0x18400] =	vst v63  }
0xae: {  	_ =	swait.ge [sflag:s15], $0x4000  }
0xaf: {  	[sflag:s15] =	ssyncset.done $0x0  }
0xb0: {  	s14 =	rddreg [dreg:$0x7];
	[sflag:s15] =	ssyncadd.s32 $0xFFFFC000  }
0xb1: {  	[hbm4b:s14+s3] =	stream.linear.scatter [tilespmem:s9], [sflag:$0x8], $0x4000, $0x38;
	[tilespmem:$0x18400] =	vst v63  }
0xb2: {  	_ =	swait.ge [sflag:s22], $0x4000  }
0xb3: {  	[sflag:s22] =	ssyncset.done $0x0  }
0xb4: {  	[sflag:s22] =	ssyncadd.s32 $0xFFFFC000  }
0xb5: {  	v3 =	vld [tilespmem:$0x60];
	_ =	sdelay $0x4  }
0xb6: {  	v59 =	vshll.u32 v3, $0x3  }
0xb7: {  	v3 =	vand.u32 $0x7, v3;
	v4 =	vand.u32 $0xFFFFFFC0, v59  }
0xb8: {  	v3 =	vor.u32 v3, v4  }
0xb9: {  	v4 =	vperm.xlane v3, v0;
	_ =	sdelay $0x1  }
0xba: {  	v4 =	vadd.s32 v1, v4;
	_ =	sdelay $0x4  }
0xbb: {  	[tilespmem:s29], [sflag:$0x1] =	stream.indirect_vreg.gather [hbm4b:s1+s3], $0x80, v4, vm0, $0xb8;
	[tilespmem:$0x18400] =	vst v63  }
0xbc: {  	v3 =	vperm.xlane v3, v2  }
0xbd: {  	[tilespmem:s2], [sflag:$0x1] =	stream.indirect_vreg.gather [hbm4b:s5+s3], $0x80, v4, vm0, $0xb8;
	[tilespmem:$0x18400] =	vst v63  }
0xbe: {  	v3 =	vadd.s32 v1, v3  }
0xbf: {  	[tilespmem:s13], [sflag:$0x1] =	stream.indirect_vreg.gather [hbm4b:s7+s3], $0x80, v4, vm0, $0xb8;
	[tilespmem:$0x18400] =	vst v63  }
0xc0: {  	_ = 	snop  }
0xc1: {  	[tilespmem:s20], [sflag:$0x1] =	stream.indirect_vreg.gather [hbm4b:s8+s3], $0x80, v4, vm0, $0xb8;
	[tilespmem:$0x18400] =	vst v63  }
0xc2: {  	s20 =	simm.s32 $0x2400  }
0xc3: {  	[tilespmem:s20], [sflag:$0x1] =	stream.indirect_vreg.gather [hbm4b:s1+s3], $0x80, v3, vm0, $0xb8;
	[tilespmem:$0x18400] =	vst v63  }
0xc4: {  	s2 =	simm.s32 $0x2C00  }
0xc5: {  	[tilespmem:s2], [sflag:$0x1] =	stream.indirect_vreg.gather [hbm4b:s5+s3], $0x80, v3, vm0, $0xb8;
	[tilespmem:$0x18400] =	vst v63  }
0xc6: {  	s13 =	simm.s32 $0x3400  }
0xc7: {  	[tilespmem:s13], [sflag:$0x1] =	stream.indirect_vreg.gather [hbm4b:s7+s3], $0x80, v3, vm0, $0xb8;
	[tilespmem:$0x18400] =	vst v63  }
0xc8: {  	s20 =	simm.s32 $0x3C00  }
0xc9: {  	[tilespmem:s20], [sflag:$0x1] =	stream.indirect_vreg.gather [hbm4b:s8+s3], $0x80, v3, vm0, $0xb8;
	[tilespmem:$0x18400] =	vst v63  }
0xca: {  	_ =	swait.ge [sflag:s10], $0x4000  }
0xcb: {  	[sflag:s10] =	ssyncset.done $0x0  }
0xcc: {  	s2 =	rddreg [dreg:$0x8];
	[sflag:s10] =	ssyncadd.s32 $0xFFFFC000  }
0xcd: {  	[hbm4b:s2+s3] =	stream.linear.scatter [tilespmem:s17], [sflag:$0x9], $0x4000, $0x38;
	[tilespmem:$0x18400] =	vst v63  }
0xce: {  	_ =	swait.ge [sflag:s23], $0x4000  }
0xcf: {  	[sflag:s23] =	ssyncset.done $0x0  }
0xd0: {  	[sflag:s23] =	ssyncadd.s32 $0xFFFFC000  }
0xd1: {  	v3 =	vld [tilespmem:$0x70];
	_ =	sdelay $0x4  }
0xd2: {  	v60 =	vshll.u32 v3, $0x3  }
0xd3: {  	v3 =	vand.u32 $0x7, v3;
	v4 =	vand.u32 $0xFFFFFFC0, v60  }
0xd4: {  	v3 =	vor.u32 v3, v4  }
0xd5: {  	v4 =	vperm.xlane v3, v0;
	_ =	sdelay $0x1  }
0xd6: {  	v4 =	vadd.s32 v1, v4;
	_ =	sdelay $0x4  }
0xd7: {  	[tilespmem:s9], [sflag:$0x2] =	stream.indirect_vreg.gather [hbm4b:s1+s3], $0x80, v4, vm0, $0xb8;
	[tilespmem:$0x18400] =	vst v63  }
0xd8: {  	s13 =	simm.s32 $0x4C00;
	v3 =	vperm.xlane v3, v2  }
0xd9: {  	[tilespmem:s13], [sflag:$0x2] =	stream.indirect_vreg.gather [hbm4b:s5+s3], $0x80, v4, vm0, $0xb8;
	[tilespmem:$0x18400] =	vst v63  }
0xda: {  	s20 =	simm.s32 $0x5400;
	v3 =	vadd.s32 v1, v3  }
0xdb: {  	[tilespmem:s20], [sflag:$0x2] =	stream.indirect_vreg.gather [hbm4b:s7+s3], $0x80, v4, vm0, $0xb8;
	[tilespmem:$0x18400] =	vst v63  }
0xdc: {  	s2 =	simm.s32 $0x5C00  }
0xdd: {  	[tilespmem:s2], [sflag:$0x2] =	stream.indirect_vreg.gather [hbm4b:s8+s3], $0x80, v4, vm0, $0xb8;
	[tilespmem:$0x18400] =	vst v63  }
0xde: {  	s9 =	simm.s32 $0x6400  }
0xdf: {  	[tilespmem:s9], [sflag:$0x2] =	stream.indirect_vreg.gather [hbm4b:s1+s3], $0x80, v3, vm0, $0xb8;
	[tilespmem:$0x18400] =	vst v63  }
0xe0: {  	s13 =	simm.s32 $0x6C00  }
0xe1: {  	[tilespmem:s13], [sflag:$0x2] =	stream.indirect_vreg.gather [hbm4b:s5+s3], $0x80, v3, vm0, $0xb8;
	[tilespmem:$0x18400] =	vst v63  }
0xe2: {  	s20 =	simm.s32 $0x7400  }
0xe3: {  	[tilespmem:s20], [sflag:$0x2] =	stream.indirect_vreg.gather [hbm4b:s7+s3], $0x80, v3, vm0, $0xb8;
	[tilespmem:$0x18400] =	vst v63  }
0xe4: {  	s2 =	simm.s32 $0x7C00  }
0xe5: {  	[tilespmem:s2], [sflag:$0x2] =	stream.indirect_vreg.gather [hbm4b:s8+s3], $0x80, v3, vm0, $0xb8;
	[tilespmem:$0x18400] =	vst v63  }
0xe6: {  	_ =	swait.ge [sflag:s24], $0x4000  }
0xe7: {  	[sflag:s24] =	ssyncset.done $0x0  }
0xe8: {  	s9 =	rddreg [dreg:$0x9];
	[sflag:s24] =	ssyncadd.s32 $0xFFFFC000  }
0xe9: {  	[hbm4b:s9+s3] =	stream.linear.scatter [tilespmem:s11], [sflag:$0xA], $0x4000, $0x38;
	[tilespmem:$0x18400] =	vst v63  }
0xea: {  	_ =	swait.ge [sflag:s18], $0x4000  }
0xeb: {  	[sflag:s18] =	ssyncset.done $0x0  }
0xec: {  	[sflag:s18] =	ssyncadd.s32 $0xFFFFC000  }
0xed: {  	v3 =	vld [tilespmem:$0x80];
	_ =	sdelay $0x4  }
0xee: {  	v61 =	vshll.u32 v3, $0x3  }
0xef: {  	v3 =	vand.u32 $0x7, v3;
	v4 =	vand.u32 $0xFFFFFFC0, v61  }
0xf0: {  	v3 =	vor.u32 v3, v4  }
0xf1: {  	v4 =	vperm.xlane v3, v0;
	_ =	sdelay $0x1  }
0xf2: {  	v4 =	vadd.s32 v1, v4;
	_ =	sdelay $0x4  }
0xf3: {  	[tilespmem:s17], [sflag:$0x3] =	stream.indirect_vreg.gather [hbm4b:s1+s3], $0x80, v4, vm0, $0xb8;
	[tilespmem:$0x18400] =	vst v63  }
0xf4: {  	s13 =	simm.s32 $0x8C00;
	v3 =	vperm.xlane v3, v2  }
0xf5: {  	[tilespmem:s13], [sflag:$0x3] =	stream.indirect_vreg.gather [hbm4b:s5+s3], $0x80, v4, vm0, $0xb8;
	[tilespmem:$0x18400] =	vst v63  }
0xf6: {  	v3 =	vadd.s32 v1, v3;
	s17 =	simm.s32 $0x9400  }
0xf7: {  	[tilespmem:s17], [sflag:$0x3] =	stream.indirect_vreg.gather [hbm4b:s7+s3], $0x80, v4, vm0, $0xb8;
	[tilespmem:$0x18400] =	vst v63  }
0xf8: {  	s20 =	simm.s32 $0x9C00  }
0xf9: {  	[tilespmem:s20], [sflag:$0x3] =	stream.indirect_vreg.gather [hbm4b:s8+s3], $0x80, v4, vm0, $0xb8;
	[tilespmem:$0x18400] =	vst v63  }
0xfa: {  	s2 =	simm.s32 $0xA400  }
0xfb: {  	[tilespmem:s2], [sflag:$0x3] =	stream.indirect_vreg.gather [hbm4b:s1+s3], $0x80, v3, vm0, $0xb8;
	[tilespmem:$0x18400] =	vst v63  }
0xfc: {  	s9 =	simm.s32 $0xAC00  }
0xfd: {  	[tilespmem:s9], [sflag:$0x3] =	stream.indirect_vreg.gather [hbm4b:s5+s3], $0x80, v3, vm0, $0xb8;
	[tilespmem:$0x18400] =	vst v63  }
0xfe: {  	s13 =	simm.s32 $0xB400  }
0xff: {  	[tilespmem:s13], [sflag:$0x3] =	stream.indirect_vreg.gather [hbm4b:s7+s3], $0x80, v3, vm0, $0xb8;
	[tilespmem:$0x18400] =	vst v63  }
0x100: {  	s17 =	simm.s32 $0xBC00  }
0x101: {  	[tilespmem:s17], [sflag:$0x3] =	stream.indirect_vreg.gather [hbm4b:s8+s3], $0x80, v3, vm0, $0xb8;
	[tilespmem:$0x18400] =	vst v63  }
0x102: {  	_ =	swait.ge [sflag:s28], $0x4000  }
0x103: {  	[sflag:s28] =	ssyncset.done $0x0  }
0x104: {  	s20 =	rddreg [dreg:$0xa];
	[sflag:s28] =	ssyncadd.s32 $0xFFFFC000  }
0x105: {  	[hbm4b:s20+s3] =	stream.linear.scatter [tilespmem:s4], [sflag:$0xB], $0x4000, $0x38;
	[tilespmem:$0x18400] =	vst v63  }
0x106: {  	_ =	swait.ge [sflag:s12], $0x4000  }
0x107: {  	[sflag:s12] =	ssyncset.done $0x0  }
0x108: {  	[sflag:s12] =	ssyncadd.s32 $0xFFFFC000  }
0x109: {  	v3 =	vld [tilespmem:$0x90];
	_ =	sdelay $0x4  }
0x10a: {  	v62 =	vshll.u32 v3, $0x3  }
0x10b: {  	v3 =	vand.u32 $0x7, v3;
	v4 =	vand.u32 $0xFFFFFFC0, v62  }
0x10c: {  	v3 =	vor.u32 v3, v4  }
0x10d: {  	v4 =	vperm.xlane v3, v0;
	_ =	sdelay $0x1  }
0x10e: {  	v4 =	vadd.s32 v1, v4;
	_ =	sdelay $0x4  }
0x10f: {  	[tilespmem:s11], [sflag:$0x4] =	stream.indirect_vreg.gather [hbm4b:s1+s3], $0x80, v4, vm0, $0xb8;
	[tilespmem:$0x18400] =	vst v63  }
0x110: {  	s2 =	simm.s32 $0xCC00;
	v3 =	vperm.xlane v3, v2  }
0x111: {  	[tilespmem:s2], [sflag:$0x4] =	stream.indirect_vreg.gather [hbm4b:s5+s3], $0x80, v4, vm0, $0xb8;
	[tilespmem:$0x18400] =	vst v63  }
0x112: {  	s9 =	simm.s32 $0xD400;
	v3 =	vadd.s32 v1, v3  }
0x113: {  	[tilespmem:s9], [sflag:$0x4] =	stream.indirect_vreg.gather [hbm4b:s7+s3], $0x80, v4, vm0, $0xb8;
	[tilespmem:$0x18400] =	vst v63  }
0x114: {  	s11 =	simm.s32 $0xDC00  }
0x115: {  	[tilespmem:s11], [sflag:$0x4] =	stream.indirect_vreg.gather [hbm4b:s8+s3], $0x80, v4, vm0, $0xb8;
	[tilespmem:$0x18400] =	vst v63  }
0x116: {  	s13 =	simm.s32 $0xE400  }
0x117: {  	[tilespmem:s13], [sflag:$0x4] =	stream.indirect_vreg.gather [hbm4b:s1+s3], $0x80, v3, vm0, $0xb8;
	[tilespmem:$0x18400] =	vst v63  }
0x118: {  	s17 =	simm.s32 $0xEC00  }
0x119: {  	[tilespmem:s17], [sflag:$0x4] =	stream.indirect_vreg.gather [hbm4b:s5+s3], $0x80, v3, vm0, $0xb8;
	[tilespmem:$0x18400] =	vst v63  }
0x11a: {  	s20 =	simm.s32 $0xF400  }
0x11b: {  	[tilespmem:s20], [sflag:$0x4] =	stream.indirect_vreg.gather [hbm4b:s7+s3], $0x80, v3, vm0, $0xb8;
	[tilespmem:$0x18400] =	vst v63  }
0x11c: {  	s2 =	simm.s32 $0xFC00  }
0x11d: {  	[tilespmem:s2], [sflag:$0x4] =	stream.indirect_vreg.gather [hbm4b:s8+s3], $0x80, v3, vm0, $0xb8;
	[tilespmem:$0x18400] =	vst v63  }
0x11e: {  	_ =	swait.ge [sflag:s30], $0x4000  }
0x11f: {  	[sflag:s30] =	ssyncset.done $0x0  }
0x120: {  	s9 =	rddreg [dreg:$0xb];
	[sflag:s30] =	ssyncadd.s32 $0xFFFFC000  }
0x121: {  	[hbm4b:s9+s3] =	stream.linear.scatter [tilespmem:s6], [sflag:$0xC], $0x4000, $0x38;
	[tilespmem:$0x18400] =	vst v63  }
0x122: {  	_ =	swait.ge [sflag:s19], $0x4000  }
0x123: {  	[sflag:s19] =	ssyncset.done $0x0  }
0x124: {  	[sflag:s19] =	ssyncadd.s32 $0xFFFFC000  }
0x125: {  	v3 =	vld [tilespmem:$0xA0];
	_ =	sdelay $0x4  }
0x126: {  	v63 =	vshll.u32 v3, $0x3  }
0x127: {  	v3 =	vand.u32 $0x7, v3;
	v4 =	vand.u32 $0xFFFFFFC0, v63  }
0x128: {  	v3 =	vor.u32 v3, v4  }
0x129: {  	v4 =	vperm.xlane v3, v0;
	_ =	sdelay $0x1  }
0x12a: {  	v4 =	vadd.s32 v1, v4;
	_ =	sdelay $0x4  }
0x12b: {  	[tilespmem:s4], [sflag:$0x5] =	stream.indirect_vreg.gather [hbm4b:s1+s3], $0x80, v4, vm0, $0xb8;
	[tilespmem:$0x18400] =	vst v63  }
0x12c: {  	s14 =	simm.s32 $0x10C00;
	v3 =	vperm.xlane v3, v2  }
0x12d: {  	[tilespmem:s14], [sflag:$0x5] =	stream.indirect_vreg.gather [hbm4b:s5+s3], $0x80, v4, vm0, $0xb8;
	[tilespmem:$0x18400] =	vst v63  }
0x12e: {  	s21 =	simm.s32 $0x11400;
	v3 =	vadd.s32 v1, v3  }
0x12f: {  	[tilespmem:s21], [sflag:$0x5] =	stream.indirect_vreg.gather [hbm4b:s7+s3], $0x80, v4, vm0, $0xb8;
	[tilespmem:$0x18400] =	vst v63  }
0x130: {  	s25 =	simm.s32 $0x11C00  }
0x131: {  	[tilespmem:s25], [sflag:$0x5] =	stream.indirect_vreg.gather [hbm4b:s8+s3], $0x80, v4, vm0, $0xb8;
	[tilespmem:$0x18400] =	vst v63  }
0x132: {  	s26 =	simm.s32 $0x12400  }
0x133: {  	[tilespmem:s26], [sflag:$0x5] =	stream.indirect_vreg.gather [hbm4b:s1+s3], $0x80, v3, vm0, $0xb8;
	[tilespmem:$0x18400] =	vst v63  }
0x134: {  	s0 =	simm.s32 $0x0;
	s11 =	simm.s32 $0x12C00  }
0x135: {  	[tilespmem:s11], [sflag:$0x5] =	stream.indirect_vreg.gather [hbm4b:s5+s3], $0x80, v3, vm0, $0xb8;
	[tilespmem:$0x18400] =	vst v63  }
0x136: {  	s29 =	simm.s32 $0x12C00;
	s13 =	simm.s32 $0x13400;
	s17 =	simm.s32 $0x13400  }
0x137: {  	[tilespmem:s13], [sflag:$0x5] =	stream.indirect_vreg.gather [hbm4b:s7+s3], $0x80, v3, vm0, $0xb8;
	[tilespmem:$0x18400] =	vst v63  }
0x138: {  	s20 =	simm.s32 $0x13C00;
	s11 =	simm.s32 $0x13C00;
	s13 =	simm.s32 $0x100  }
0x139: {  	[tilespmem:s20], [sflag:$0x5] =	stream.indirect_vreg.gather [hbm4b:s8+s3], $0x80, v3, vm0, $0xb8;
	[tilespmem:$0x18400] =	vst v63  }
.LBB2_2:
0x13a: {  	_ =	swait.ge [sflag:s16], $0x4000  }
0x13b: {  	s20 =	rddreg [dreg:$0x4]  }
0x13c: {  	[sflag:s16] =	ssyncset.done $0x0;
	s20 =	sadd.s32 s0, s20  }
0x13d: {  	s9 =	simm.s32 $0x400;
	[sflag:s16] =	ssyncadd.s32 $0xFFFFC000;
	s2 =	sadd.s32 $0x3000, s20  }
0x13e: {  	[hbm4b:s2+s3] =	stream.linear.scatter [tilespmem:s9], [sflag:$0x7], $0x4000, $0x38;
	[tilespmem:$0x18400] =	vst v63  }
0x13f: {  	_ =	swait.ge [sflag:s31], $0x4000  }
0x140: {  	[sflag:s31] =	ssyncset.done $0x0  }
0x141: {  	[sflag:s31] =	ssyncadd.s32 $0xFFFFC000  }
0x142: {  	v3 =	vld [tilespmem:s13+$0xFFFFFFB0];
	_ =	sdelay $0x4  }
0x143: {  	v4 =	vshll.u32 v3, $0x3  }
0x144: {  	v3 =	vand.u32 $0x7, v3;
	v4 =	vand.u32 $0xFFFFFFC0, v4  }
0x145: {  	v3 =	vor.u32 v3, v4  }
0x146: {  	v4 =	vperm.xlane v3, v0;
	_ =	sdelay $0x1  }
0x147: {  	v4 =	vadd.s32 v1, v4;
	_ =	sdelay $0x3  }
0x148: {  	s6 =	simm.s32 $0x14400  }
0x149: {  	[tilespmem:s6], [sflag:$0x6] =	stream.indirect_vreg.gather [hbm4b:s1+s3], $0x80, v4, vm0, $0xb8;
	[tilespmem:$0x18400] =	vst v63  }
0x14a: {  	s4 =	simm.s32 $0x14C00;
	v3 =	vperm.xlane v3, v2  }
0x14b: {  	[tilespmem:s4], [sflag:$0x6] =	stream.indirect_vreg.gather [hbm4b:s5+s3], $0x80, v4, vm0, $0xb8;
	[tilespmem:$0x18400] =	vst v63  }
0x14c: {  	v3 =	vadd.s32 v1, v3;
	s4 =	simm.s32 $0x15400  }
0x14d: {  	[tilespmem:s4], [sflag:$0x6] =	stream.indirect_vreg.gather [hbm4b:s7+s3], $0x80, v4, vm0, $0xb8;
	[tilespmem:$0x18400] =	vst v63  }
0x14e: {  	s4 =	simm.s32 $0x15C00  }
0x14f: {  	[tilespmem:s4], [sflag:$0x6] =	stream.indirect_vreg.gather [hbm4b:s8+s3], $0x80, v4, vm0, $0xb8;
	[tilespmem:$0x18400] =	vst v63  }
0x150: {  	s4 =	simm.s32 $0x16400  }
0x151: {  	[tilespmem:s4], [sflag:$0x6] =	stream.indirect_vreg.gather [hbm4b:s1+s3], $0x80, v3, vm0, $0xb8;
	[tilespmem:$0x18400] =	vst v63  }
0x152: {  	s4 =	simm.s32 $0x16C00  }
0x153: {  	[tilespmem:s4], [sflag:$0x6] =	stream.indirect_vreg.gather [hbm4b:s5+s3], $0x80, v3, vm0, $0xb8;
	[tilespmem:$0x18400] =	vst v63  }
0x154: {  	s4 =	simm.s32 $0x17400  }
0x155: {  	[tilespmem:s4], [sflag:$0x6] =	stream.indirect_vreg.gather [hbm4b:s7+s3], $0x80, v3, vm0, $0xb8;
	[tilespmem:$0x18400] =	vst v63  }
0x156: {  	s4 =	simm.s32 $0x17C00  }
0x157: {  	[tilespmem:s4], [sflag:$0x6] =	stream.indirect_vreg.gather [hbm4b:s8+s3], $0x80, v3, vm0, $0xb8;
	[tilespmem:$0x18400] =	vst v63  }
0x158: {  	_ =	swait.ge [sflag:s15], $0x4000  }
0x159: {  	[sflag:s15] =	ssyncset.done $0x0  }
0x15a: {  	s2 =	sadd.s32 $0x3800, s20;
	s4 =	simm.s32 $0x4400;
	[sflag:s15] =	ssyncadd.s32 $0xFFFFC000  }
0x15b: {  	[hbm4b:s2+s3] =	stream.linear.scatter [tilespmem:s4], [sflag:$0x8], $0x4000, $0x38;
	[tilespmem:$0x18400] =	vst v63  }
0x15c: {  	_ =	swait.ge [sflag:s22], $0x4000  }
0x15d: {  	[sflag:s22] =	ssyncset.done $0x0  }
0x15e: {  	[sflag:s22] =	ssyncadd.s32 $0xFFFFC000  }
0x15f: {  	v3 =	vld [tilespmem:s13+$0xFFFFFFC0];
	_ =	sdelay $0x4  }
0x160: {  	v59 =	vshll.u32 v3, $0x3  }
0x161: {  	v3 =	vand.u32 $0x7, v3;
	v4 =	vand.u32 $0xFFFFFFC0, v59  }
0x162: {  	v3 =	vor.u32 v3, v4  }
0x163: {  	v4 =	vperm.xlane v3, v0;
	_ =	sdelay $0x1  }
0x164: {  	v4 =	vadd.s32 v1, v4;
	_ =	sdelay $0x4  }
0x165: {  	[tilespmem:s9], [sflag:$0x1] =	stream.indirect_vreg.gather [hbm4b:s1+s3], $0x80, v4, vm0, $0xb8;
	[tilespmem:$0x18400] =	vst v63  }
0x166: {  	v3 =	vperm.xlane v3, v2;
	s9 =	simm.s32 $0xC00  }
0x167: {  	[tilespmem:s9], [sflag:$0x1] =	stream.indirect_vreg.gather [hbm4b:s5+s3], $0x80, v4, vm0, $0xb8;
	[tilespmem:$0x18400] =	vst v63  }
0x168: {  	v3 =	vadd.s32 v1, v3;
	s9 =	simm.s32 $0x1400  }
0x169: {  	[tilespmem:s9], [sflag:$0x1] =	stream.indirect_vreg.gather [hbm4b:s7+s3], $0x80, v4, vm0, $0xb8;
	[tilespmem:$0x18400] =	vst v63  }
0x16a: {  	s9 =	simm.s32 $0x1C00  }
0x16b: {  	[tilespmem:s9], [sflag:$0x1] =	stream.indirect_vreg.gather [hbm4b:s8+s3], $0x80, v4, vm0, $0xb8;
	[tilespmem:$0x18400] =	vst v63  }
0x16c: {  	s9 =	simm.s32 $0x2400  }
0x16d: {  	[tilespmem:s9], [sflag:$0x1] =	stream.indirect_vreg.gather [hbm4b:s1+s3], $0x80, v3, vm0, $0xb8;
	[tilespmem:$0x18400] =	vst v63  }
0x16e: {  	s9 =	simm.s32 $0x2C00  }
0x16f: {  	[tilespmem:s9], [sflag:$0x1] =	stream.indirect_vreg.gather [hbm4b:s5+s3], $0x80, v3, vm0, $0xb8;
	[tilespmem:$0x18400] =	vst v63  }
0x170: {  	s9 =	simm.s32 $0x3400  }
0x171: {  	[tilespmem:s9], [sflag:$0x1] =	stream.indirect_vreg.gather [hbm4b:s7+s3], $0x80, v3, vm0, $0xb8;
	[tilespmem:$0x18400] =	vst v63  }
0x172: {  	s9 =	simm.s32 $0x3C00  }
0x173: {  	[tilespmem:s9], [sflag:$0x1] =	stream.indirect_vreg.gather [hbm4b:s8+s3], $0x80, v3, vm0, $0xb8;
	[tilespmem:$0x18400] =	vst v63  }
0x174: {  	_ =	swait.ge [sflag:s10], $0x4000  }
0x175: {  	[sflag:s10] =	ssyncset.done $0x0  }
0x176: {  	s2 =	sadd.s32 $0x4000, s20;
	s9 =	simm.s32 $0x8400;
	[sflag:s10] =	ssyncadd.s32 $0xFFFFC000  }
0x177: {  	[hbm4b:s2+s3] =	stream.linear.scatter [tilespmem:s9], [sflag:$0x9], $0x4000, $0x38;
	[tilespmem:$0x18400] =	vst v63  }
0x178: {  	_ =	swait.ge [sflag:s23], $0x4000  }
0x179: {  	[sflag:s23] =	ssyncset.done $0x0  }
0x17a: {  	[sflag:s23] =	ssyncadd.s32 $0xFFFFC000  }
0x17b: {  	v3 =	vld [tilespmem:s13+$0xFFFFFFD0];
	_ =	sdelay $0x4  }
0x17c: {  	v60 =	vshll.u32 v3, $0x3  }
0x17d: {  	v3 =	vand.u32 $0x7, v3;
	v4 =	vand.u32 $0xFFFFFFC0, v60  }
0x17e: {  	v3 =	vor.u32 v3, v4  }
0x17f: {  	v4 =	vperm.xlane v3, v0;
	_ =	sdelay $0x1  }
0x180: {  	v4 =	vadd.s32 v1, v4;
	_ =	sdelay $0x4  }
0x181: {  	[tilespmem:s4], [sflag:$0x2] =	stream.indirect_vreg.gather [hbm4b:s1+s3], $0x80, v4, vm0, $0xb8;
	[tilespmem:$0x18400] =	vst v63  }
0x182: {  	v3 =	vperm.xlane v3, v2;
	s4 =	simm.s32 $0x4C00  }
0x183: {  	[tilespmem:s4], [sflag:$0x2] =	stream.indirect_vreg.gather [hbm4b:s5+s3], $0x80, v4, vm0, $0xb8;
	[tilespmem:$0x18400] =	vst v63  }
0x184: {  	v3 =	vadd.s32 v1, v3;
	s4 =	simm.s32 $0x5400  }
0x185: {  	[tilespmem:s4], [sflag:$0x2] =	stream.indirect_vreg.gather [hbm4b:s7+s3], $0x80, v4, vm0, $0xb8;
	[tilespmem:$0x18400] =	vst v63  }
0x186: {  	s4 =	simm.s32 $0x5C00  }
0x187: {  	[tilespmem:s4], [sflag:$0x2] =	stream.indirect_vreg.gather [hbm4b:s8+s3], $0x80, v4, vm0, $0xb8;
	[tilespmem:$0x18400] =	vst v63  }
0x188: {  	s4 =	simm.s32 $0x6400  }
0x189: {  	[tilespmem:s4], [sflag:$0x2] =	stream.indirect_vreg.gather [hbm4b:s1+s3], $0x80, v3, vm0, $0xb8;
	[tilespmem:$0x18400] =	vst v63  }
0x18a: {  	s4 =	simm.s32 $0x6C00  }
0x18b: {  	[tilespmem:s4], [sflag:$0x2] =	stream.indirect_vreg.gather [hbm4b:s5+s3], $0x80, v3, vm0, $0xb8;
	[tilespmem:$0x18400] =	vst v63  }
0x18c: {  	s4 =	simm.s32 $0x7400  }
0x18d: {  	[tilespmem:s4], [sflag:$0x2] =	stream.indirect_vreg.gather [hbm4b:s7+s3], $0x80, v3, vm0, $0xb8;
	[tilespmem:$0x18400] =	vst v63  }
0x18e: {  	s4 =	simm.s32 $0x7C00  }
0x18f: {  	[tilespmem:s4], [sflag:$0x2] =	stream.indirect_vreg.gather [hbm4b:s8+s3], $0x80, v3, vm0, $0xb8;
	[tilespmem:$0x18400] =	vst v63  }
0x190: {  	_ =	swait.ge [sflag:s24], $0x4000  }
0x191: {  	[sflag:s24] =	ssyncset.done $0x0  }
0x192: {  	s2 =	sadd.s32 $0x4800, s20;
	s4 =	simm.s32 $0xC400;
	[sflag:s24] =	ssyncadd.s32 $0xFFFFC000  }
0x193: {  	[hbm4b:s2+s3] =	stream.linear.scatter [tilespmem:s4], [sflag:$0xA], $0x4000, $0x38;
	[tilespmem:$0x18400] =	vst v63  }
0x194: {  	_ =	swait.ge [sflag:s18], $0x4000  }
0x195: {  	[sflag:s18] =	ssyncset.done $0x0  }
0x196: {  	[sflag:s18] =	ssyncadd.s32 $0xFFFFC000  }
0x197: {  	v3 =	vld [tilespmem:s13+$0xFFFFFFE0];
	_ =	sdelay $0x4  }
0x198: {  	v61 =	vshll.u32 v3, $0x3  }
0x199: {  	v3 =	vand.u32 $0x7, v3;
	v4 =	vand.u32 $0xFFFFFFC0, v61  }
0x19a: {  	v3 =	vor.u32 v3, v4  }
0x19b: {  	v4 =	vperm.xlane v3, v0;
	_ =	sdelay $0x1  }
0x19c: {  	v4 =	vadd.s32 v1, v4;
	_ =	sdelay $0x4  }
0x19d: {  	[tilespmem:s9], [sflag:$0x3] =	stream.indirect_vreg.gather [hbm4b:s1+s3], $0x80, v4, vm0, $0xb8;
	[tilespmem:$0x18400] =	vst v63  }
0x19e: {  	v3 =	vperm.xlane v3, v2;
	s9 =	simm.s32 $0x8C00  }
0x19f: {  	[tilespmem:s9], [sflag:$0x3] =	stream.indirect_vreg.gather [hbm4b:s5+s3], $0x80, v4, vm0, $0xb8;
	[tilespmem:$0x18400] =	vst v63  }
0x1a0: {  	v3 =	vadd.s32 v1, v3;
	s9 =	simm.s32 $0x9400  }
0x1a1: {  	[tilespmem:s9], [sflag:$0x3] =	stream.indirect_vreg.gather [hbm4b:s7+s3], $0x80, v4, vm0, $0xb8;
	[tilespmem:$0x18400] =	vst v63  }
0x1a2: {  	s9 =	simm.s32 $0x9C00  }
0x1a3: {  	[tilespmem:s9], [sflag:$0x3] =	stream.indirect_vreg.gather [hbm4b:s8+s3], $0x80, v4, vm0, $0xb8;
	[tilespmem:$0x18400] =	vst v63  }
0x1a4: {  	s9 =	simm.s32 $0xA400  }
0x1a5: {  	[tilespmem:s9], [sflag:$0x3] =	stream.indirect_vreg.gather [hbm4b:s1+s3], $0x80, v3, vm0, $0xb8;
	[tilespmem:$0x18400] =	vst v63  }
0x1a6: {  	s9 =	simm.s32 $0xAC00  }
0x1a7: {  	[tilespmem:s9], [sflag:$0x3] =	stream.indirect_vreg.gather [hbm4b:s5+s3], $0x80, v3, vm0, $0xb8;
	[tilespmem:$0x18400] =	vst v63  }
0x1a8: {  	s9 =	simm.s32 $0xB400  }
0x1a9: {  	[tilespmem:s9], [sflag:$0x3] =	stream.indirect_vreg.gather [hbm4b:s7+s3], $0x80, v3, vm0, $0xb8;
	[tilespmem:$0x18400] =	vst v63  }
0x1aa: {  	s9 =	simm.s32 $0xBC00  }
0x1ab: {  	[tilespmem:s9], [sflag:$0x3] =	stream.indirect_vreg.gather [hbm4b:s8+s3], $0x80, v3, vm0, $0xb8;
	[tilespmem:$0x18400] =	vst v63  }
0x1ac: {  	_ =	swait.ge [sflag:s28], $0x4000  }
0x1ad: {  	[sflag:s28] =	ssyncset.done $0x0  }
0x1ae: {  	s2 =	sadd.s32 $0x5000, s20;
	s9 =	simm.s32 $0x10400;
	[sflag:s28] =	ssyncadd.s32 $0xFFFFC000  }
0x1af: {  	[hbm4b:s2+s3] =	stream.linear.scatter [tilespmem:s9], [sflag:$0xB], $0x4000, $0x38;
	[tilespmem:$0x18400] =	vst v63  }
0x1b0: {  	_ =	swait.ge [sflag:s12], $0x4000  }
0x1b1: {  	[sflag:s12] =	ssyncset.done $0x0  }
0x1b2: {  	[sflag:s12] =	ssyncadd.s32 $0xFFFFC000  }
0x1b3: {  	v3 =	vld [tilespmem:s13+$0xFFFFFFF0];
	_ =	sdelay $0x4  }
0x1b4: {  	v62 =	vshll.u32 v3, $0x3  }
0x1b5: {  	v3 =	vand.u32 $0x7, v3;
	v4 =	vand.u32 $0xFFFFFFC0, v62  }
0x1b6: {  	v3 =	vor.u32 v3, v4  }
0x1b7: {  	v4 =	vperm.xlane v3, v0;
	_ =	sdelay $0x1  }
0x1b8: {  	v4 =	vadd.s32 v1, v4;
	_ =	sdelay $0x4  }
0x1b9: {  	[tilespmem:s4], [sflag:$0x4] =	stream.indirect_vreg.gather [hbm4b:s1+s3], $0x80, v4, vm0, $0xb8;
	[tilespmem:$0x18400] =	vst v63  }
0x1ba: {  	v3 =	vperm.xlane v3, v2;
	s4 =	simm.s32 $0xCC00  }
0x1bb: {  	[tilespmem:s4], [sflag:$0x4] =	stream.indirect_vreg.gather [hbm4b:s5+s3], $0x80, v4, vm0, $0xb8;
	[tilespmem:$0x18400] =	vst v63  }
0x1bc: {  	v3 =	vadd.s32 v1, v3;
	s4 =	simm.s32 $0xD400  }
0x1bd: {  	[tilespmem:s4], [sflag:$0x4] =	stream.indirect_vreg.gather [hbm4b:s7+s3], $0x80, v4, vm0, $0xb8;
	[tilespmem:$0x18400] =	vst v63  }
0x1be: {  	s4 =	simm.s32 $0xDC00  }
0x1bf: {  	[tilespmem:s4], [sflag:$0x4] =	stream.indirect_vreg.gather [hbm4b:s8+s3], $0x80, v4, vm0, $0xb8;
	[tilespmem:$0x18400] =	vst v63  }
0x1c0: {  	s4 =	simm.s32 $0xE400  }
0x1c1: {  	[tilespmem:s4], [sflag:$0x4] =	stream.indirect_vreg.gather [hbm4b:s1+s3], $0x80, v3, vm0, $0xb8;
	[tilespmem:$0x18400] =	vst v63  }
0x1c2: {  	s4 =	simm.s32 $0xEC00  }
0x1c3: {  	[tilespmem:s4], [sflag:$0x4] =	stream.indirect_vreg.gather [hbm4b:s5+s3], $0x80, v3, vm0, $0xb8;
	[tilespmem:$0x18400] =	vst v63  }
0x1c4: {  	s4 =	simm.s32 $0xF400  }
0x1c5: {  	[tilespmem:s4], [sflag:$0x4] =	stream.indirect_vreg.gather [hbm4b:s7+s3], $0x80, v3, vm0, $0xb8;
	[tilespmem:$0x18400] =	vst v63  }
0x1c6: {  	s4 =	simm.s32 $0xFC00  }
0x1c7: {  	[tilespmem:s4], [sflag:$0x4] =	stream.indirect_vreg.gather [hbm4b:s8+s3], $0x80, v3, vm0, $0xb8;
	[tilespmem:$0x18400] =	vst v63  }
0x1c8: {  	_ =	swait.ge [sflag:s30], $0x4000  }
0x1c9: {  	[sflag:s30] =	ssyncset.done $0x0  }
0x1ca: {  	s20 =	sadd.s32 $0x5800, s20;
	[sflag:s30] =	ssyncadd.s32 $0xFFFFC000  }
0x1cb: {  	[hbm4b:s20+s3] =	stream.linear.scatter [tilespmem:s6], [sflag:$0xC], $0x4000, $0x38;
	[tilespmem:$0x18400] =	vst v63  }
0x1cc: {  	_ =	swait.ge [sflag:s19], $0x4000  }
0x1cd: {  	[sflag:s19] =	ssyncset.done $0x0  }
0x1ce: {  	[sflag:s19] =	ssyncadd.s32 $0xFFFFC000  }
0x1cf: {  	v3 =	vld [tilespmem:s13+$0x0];
	_ =	sdelay $0x4  }
0x1d0: {  	v63 =	vshll.u32 v3, $0x3  }
0x1d1: {  	v3 =	vand.u32 $0x7, v3;
	v4 =	vand.u32 $0xFFFFFFC0, v63  }
0x1d2: {  	v3 =	vor.u32 v3, v4  }
0x1d3: {  	v4 =	vperm.xlane v3, v0;
	_ =	sdelay $0x1  }
0x1d4: {  	v4 =	vadd.s32 v1, v4;
	_ =	sdelay $0x4  }
0x1d5: {  	[tilespmem:s9], [sflag:$0x5] =	stream.indirect_vreg.gather [hbm4b:s1+s3], $0x80, v4, vm0, $0xb8;
	[tilespmem:$0x18400] =	vst v63  }
0x1d6: {  	v3 =	vperm.xlane v3, v2  }
0x1d7: {  	[tilespmem:s14], [sflag:$0x5] =	stream.indirect_vreg.gather [hbm4b:s5+s3], $0x80, v4, vm0, $0xb8;
	[tilespmem:$0x18400] =	vst v63  }
0x1d8: {  	v3 =	vadd.s32 v1, v3  }
0x1d9: {  	[tilespmem:s21], [sflag:$0x5] =	stream.indirect_vreg.gather [hbm4b:s7+s3], $0x80, v4, vm0, $0xb8;
	[tilespmem:$0x18400] =	vst v63  }
0x1da: {  	_ = 	snop  }
0x1db: {  	[tilespmem:s25], [sflag:$0x5] =	stream.indirect_vreg.gather [hbm4b:s8+s3], $0x80, v4, vm0, $0xb8;
	[tilespmem:$0x18400] =	vst v63  }
0x1dc: {  	_ = 	snop  }
0x1dd: {  	[tilespmem:s26], [sflag:$0x5] =	stream.indirect_vreg.gather [hbm4b:s1+s3], $0x80, v3, vm0, $0xb8;
	[tilespmem:$0x18400] =	vst v63  }
0x1de: {  	p0 =	sne.s32 s0, $0x15000  }
0x1df: {  	[tilespmem:s29], [sflag:$0x5] =	stream.indirect_vreg.gather [hbm4b:s5+s3], $0x80, v3, vm0, $0xb8;
	[tilespmem:$0x18400] =	vst v63  }
.Ltmp0:
0x1e0: {  	_ = 	snop;
	(pc) =	sbr.rel @p0 .LBB2_2-.Ltmp0, $4  }
0x1e1: {  	_ = 	snop  }
0x1e2: {  	[tilespmem:s17], [sflag:$0x5] =	stream.indirect_vreg.gather [hbm4b:s7+s3], $0x80, v3, vm0, $0xb8;
	[tilespmem:$0x18400] =	vst v63  }
0x1e3: {  	s0 =	sadd.s32 $0x3000, s0;
	s4 =	simm.s32 $0x10400;
	s13 =	sadd.s32 $0x60, s13  }
0x1e4: {  	[tilespmem:s11], [sflag:$0x5] =	stream.indirect_vreg.gather [hbm4b:s8+s3], $0x80, v3, vm0, $0xb8;
	[tilespmem:$0x18400] =	vst v63  }
0x1e5: {  	_ =	swait.ge [sflag:s16], $0x4000  }
0x1e6: {  	[sflag:s16] =	ssyncset.done $0x0  }
0x1e7: {  	s2 =	simm.s32 $0x400;
	s0 =	rddreg [dreg:$0xc];
	[sflag:s16] =	ssyncadd.s32 $0xFFFFC000  }
0x1e8: {  	[hbm4b:s0+s3] =	stream.linear.scatter [tilespmem:s2], [sflag:$0x7], $0x4000, $0x38;
	[tilespmem:$0x18400] =	vst v63  }
0x1e9: {  	_ =	swait.ge [sflag:s31], $0x4000  }
0x1ea: {  	[sflag:s31] =	ssyncset.done $0x0  }
0x1eb: {  	[sflag:s31] =	ssyncadd.s32 $0xFFFFC000  }
0x1ec: {  	v3 =	vld [tilespmem:$0x3B0];
	_ =	sdelay $0x4  }
0x1ed: {  	v4 =	vshll.u32 v3, $0x3  }
0x1ee: {  	v3 =	vand.u32 $0x7, v3;
	v4 =	vand.u32 $0xFFFFFFC0, v4  }
0x1ef: {  	v3 =	vor.u32 v3, v4  }
0x1f0: {  	v4 =	vperm.xlane v3, v0;
	_ =	sdelay $0x1  }
0x1f1: {  	v4 =	vadd.s32 v1, v4;
	_ =	sdelay $0x3  }
0x1f2: {  	s6 =	simm.s32 $0x14400  }
0x1f3: {  	[tilespmem:s6], [sflag:$0x6] =	stream.indirect_vreg.gather [hbm4b:s1+s3], $0x80, v4, vm0, $0xb8;
	[tilespmem:$0x18400] =	vst v63  }
0x1f4: {  	s17 =	simm.s32 $0x14C00;
	v3 =	vperm.xlane v3, v2  }
0x1f5: {  	[tilespmem:s17], [sflag:$0x6] =	stream.indirect_vreg.gather [hbm4b:s5+s3], $0x80, v4, vm0, $0xb8;
	[tilespmem:$0x18400] =	vst v63  }
0x1f6: {  	s20 =	simm.s32 $0x15400;
	v3 =	vadd.s32 v1, v3  }
0x1f7: {  	[tilespmem:s20], [sflag:$0x6] =	stream.indirect_vreg.gather [hbm4b:s7+s3], $0x80, v4, vm0, $0xb8;
	[tilespmem:$0x18400] =	vst v63  }
0x1f8: {  	s21 =	simm.s32 $0x15C00  }
0x1f9: {  	[tilespmem:s21], [sflag:$0x6] =	stream.indirect_vreg.gather [hbm4b:s8+s3], $0x80, v4, vm0, $0xb8;
	[tilespmem:$0x18400] =	vst v63  }
0x1fa: {  	s25 =	simm.s32 $0x16400  }
0x1fb: {  	[tilespmem:s25], [sflag:$0x6] =	stream.indirect_vreg.gather [hbm4b:s1+s3], $0x80, v3, vm0, $0xb8;
	[tilespmem:$0x18400] =	vst v63  }
0x1fc: {  	s26 =	simm.s32 $0x16C00  }
0x1fd: {  	[tilespmem:s26], [sflag:$0x6] =	stream.indirect_vreg.gather [hbm4b:s5+s3], $0x80, v3, vm0, $0xb8;
	[tilespmem:$0x18400] =	vst v63  }
0x1fe: {  	s29 =	simm.s32 $0x17400  }
0x1ff: {  	[tilespmem:s29], [sflag:$0x6] =	stream.indirect_vreg.gather [hbm4b:s7+s3], $0x80, v3, vm0, $0xb8;
	[tilespmem:$0x18400] =	vst v63  }
0x200: {  	s9 =	simm.s32 $0x17C00  }
0x201: {  	[tilespmem:s9], [sflag:$0x6] =	stream.indirect_vreg.gather [hbm4b:s8+s3], $0x80, v3, vm0, $0xb8;
	[tilespmem:$0x18400] =	vst v63  }
0x202: {  	_ =	swait.ge [sflag:s15], $0x4000  }
0x203: {  	[sflag:s15] =	ssyncset.done $0x0  }
0x204: {  	s9 =	simm.s32 $0x4400;
	s11 =	rddreg [dreg:$0xd];
	[sflag:s15] =	ssyncadd.s32 $0xFFFFC000  }
0x205: {  	[hbm4b:s11+s3] =	stream.linear.scatter [tilespmem:s9], [sflag:$0x8], $0x4000, $0x38;
	[tilespmem:$0x18400] =	vst v63  }
0x206: {  	_ =	swait.ge [sflag:s22], $0x4000  }
0x207: {  	[sflag:s22] =	ssyncset.done $0x0  }
0x208: {  	[sflag:s22] =	ssyncadd.s32 $0xFFFFC000  }
0x209: {  	v3 =	vld [tilespmem:$0x3C0];
	_ =	sdelay $0x4  }
0x20a: {  	v60 =	vshll.u32 v3, $0x3  }
0x20b: {  	v3 =	vand.u32 $0x7, v3;
	v4 =	vand.u32 $0xFFFFFFC0, v60  }
0x20c: {  	v3 =	vor.u32 v3, v4  }
0x20d: {  	v4 =	vperm.xlane v3, v0;
	_ =	sdelay $0x1  }
0x20e: {  	v4 =	vadd.s32 v1, v4;
	_ =	sdelay $0x4  }
0x20f: {  	[tilespmem:s2], [sflag:$0x1] =	stream.indirect_vreg.gather [hbm4b:s1+s3], $0x80, v4, vm0, $0xb8;
	[tilespmem:$0x18400] =	vst v63  }
0x210: {  	s13 =	simm.s32 $0xC00;
	v3 =	vperm.xlane v3, v2  }
0x211: {  	[tilespmem:s13], [sflag:$0x1] =	stream.indirect_vreg.gather [hbm4b:s5+s3], $0x80, v4, vm0, $0xb8;
	[tilespmem:$0x18400] =	vst v63  }
0x212: {  	s14 =	simm.s32 $0x1400;
	v3 =	vadd.s32 v1, v3  }
0x213: {  	[tilespmem:s14], [sflag:$0x1] =	stream.indirect_vreg.gather [hbm4b:s7+s3], $0x80, v4, vm0, $0xb8;
	[tilespmem:$0x18400] =	vst v63  }
0x214: {  	s17 =	simm.s32 $0x1C00  }
0x215: {  	[tilespmem:s17], [sflag:$0x1] =	stream.indirect_vreg.gather [hbm4b:s8+s3], $0x80, v4, vm0, $0xb8;
	[tilespmem:$0x18400] =	vst v63  }
0x216: {  	s20 =	simm.s32 $0x2400  }
0x217: {  	[tilespmem:s20], [sflag:$0x1] =	stream.indirect_vreg.gather [hbm4b:s1+s3], $0x80, v3, vm0, $0xb8;
	[tilespmem:$0x18400] =	vst v63  }
0x218: {  	s21 =	simm.s32 $0x2C00  }
0x219: {  	[tilespmem:s21], [sflag:$0x1] =	stream.indirect_vreg.gather [hbm4b:s5+s3], $0x80, v3, vm0, $0xb8;
	[tilespmem:$0x18400] =	vst v63  }
0x21a: {  	s25 =	simm.s32 $0x3400  }
0x21b: {  	[tilespmem:s25], [sflag:$0x1] =	stream.indirect_vreg.gather [hbm4b:s7+s3], $0x80, v3, vm0, $0xb8;
	[tilespmem:$0x18400] =	vst v63  }
0x21c: {  	s26 =	simm.s32 $0x3C00  }
0x21d: {  	[tilespmem:s26], [sflag:$0x1] =	stream.indirect_vreg.gather [hbm4b:s8+s3], $0x80, v3, vm0, $0xb8;
	[tilespmem:$0x18400] =	vst v63  }
0x21e: {  	_ =	swait.ge [sflag:s10], $0x4000  }
0x21f: {  	[sflag:s10] =	ssyncset.done $0x0  }
0x220: {  	s13 =	simm.s32 $0x8400;
	s29 =	rddreg [dreg:$0xe];
	[sflag:s10] =	ssyncadd.s32 $0xFFFFC000  }
0x221: {  	[hbm4b:s29+s3] =	stream.linear.scatter [tilespmem:s13], [sflag:$0x9], $0x4000, $0x38;
	[tilespmem:$0x18400] =	vst v63  }
0x222: {  	_ =	swait.ge [sflag:s23], $0x4000  }
0x223: {  	[sflag:s23] =	ssyncset.done $0x0  }
0x224: {  	[sflag:s23] =	ssyncadd.s32 $0xFFFFC000  }
0x225: {  	v3 =	vld [tilespmem:$0x3D0];
	_ =	sdelay $0x4  }
0x226: {  	v61 =	vshll.u32 v3, $0x3  }
0x227: {  	v3 =	vand.u32 $0x7, v3;
	v4 =	vand.u32 $0xFFFFFFC0, v61  }
0x228: {  	v3 =	vor.u32 v3, v4  }
0x229: {  	v4 =	vperm.xlane v3, v0;
	_ =	sdelay $0x1  }
0x22a: {  	v4 =	vadd.s32 v1, v4;
	_ =	sdelay $0x4  }
0x22b: {  	[tilespmem:s9], [sflag:$0x2] =	stream.indirect_vreg.gather [hbm4b:s1+s3], $0x80, v4, vm0, $0xb8;
	[tilespmem:$0x18400] =	vst v63  }
0x22c: {  	s11 =	simm.s32 $0x4C00;
	v3 =	vperm.xlane v3, v2  }
0x22d: {  	[tilespmem:s11], [sflag:$0x2] =	stream.indirect_vreg.gather [hbm4b:s5+s3], $0x80, v4, vm0, $0xb8;
	[tilespmem:$0x18400] =	vst v63  }
0x22e: {  	s14 =	simm.s32 $0x5400;
	v3 =	vadd.s32 v1, v3  }
0x22f: {  	[tilespmem:s14], [sflag:$0x2] =	stream.indirect_vreg.gather [hbm4b:s7+s3], $0x80, v4, vm0, $0xb8;
	[tilespmem:$0x18400] =	vst v63  }
0x230: {  	s17 =	simm.s32 $0x5C00  }
0x231: {  	[tilespmem:s17], [sflag:$0x2] =	stream.indirect_vreg.gather [hbm4b:s8+s3], $0x80, v4, vm0, $0xb8;
	[tilespmem:$0x18400] =	vst v63  }
0x232: {  	s20 =	simm.s32 $0x6400  }
0x233: {  	[tilespmem:s20], [sflag:$0x2] =	stream.indirect_vreg.gather [hbm4b:s1+s3], $0x80, v3, vm0, $0xb8;
	[tilespmem:$0x18400] =	vst v63  }
0x234: {  	s21 =	simm.s32 $0x6C00  }
0x235: {  	[tilespmem:s21], [sflag:$0x2] =	stream.indirect_vreg.gather [hbm4b:s5+s3], $0x80, v3, vm0, $0xb8;
	[tilespmem:$0x18400] =	vst v63  }
0x236: {  	s25 =	simm.s32 $0x7400  }
0x237: {  	[tilespmem:s25], [sflag:$0x2] =	stream.indirect_vreg.gather [hbm4b:s7+s3], $0x80, v3, vm0, $0xb8;
	[tilespmem:$0x18400] =	vst v63  }
0x238: {  	s26 =	simm.s32 $0x7C00  }
0x239: {  	[tilespmem:s26], [sflag:$0x2] =	stream.indirect_vreg.gather [hbm4b:s8+s3], $0x80, v3, vm0, $0xb8;
	[tilespmem:$0x18400] =	vst v63  }
0x23a: {  	_ =	swait.ge [sflag:s24], $0x4000  }
0x23b: {  	[sflag:s24] =	ssyncset.done $0x0  }
0x23c: {  	s11 =	simm.s32 $0xC400;
	s29 =	rddreg [dreg:$0xf];
	[sflag:s24] =	ssyncadd.s32 $0xFFFFC000  }
0x23d: {  	[hbm4b:s29+s3] =	stream.linear.scatter [tilespmem:s11], [sflag:$0xA], $0x4000, $0x38;
	[tilespmem:$0x18400] =	vst v63  }
0x23e: {  	_ =	swait.ge [sflag:s18], $0x4000  }
0x23f: {  	[sflag:s18] =	ssyncset.done $0x0  }
0x240: {  	[sflag:s18] =	ssyncadd.s32 $0xFFFFC000  }
0x241: {  	v3 =	vld [tilespmem:$0x3E0];
	_ =	sdelay $0x4  }
0x242: {  	v62 =	vshll.u32 v3, $0x3  }
0x243: {  	v3 =	vand.u32 $0x7, v3;
	v4 =	vand.u32 $0xFFFFFFC0, v62  }
0x244: {  	v3 =	vor.u32 v3, v4  }
0x245: {  	v4 =	vperm.xlane v3, v0;
	_ =	sdelay $0x1  }
0x246: {  	v4 =	vadd.s32 v1, v4;
	_ =	sdelay $0x4  }
0x247: {  	[tilespmem:s13], [sflag:$0x3] =	stream.indirect_vreg.gather [hbm4b:s1+s3], $0x80, v4, vm0, $0xb8;
	[tilespmem:$0x18400] =	vst v63  }
0x248: {  	s14 =	simm.s32 $0x8C00;
	v3 =	vperm.xlane v3, v2  }
0x249: {  	[tilespmem:s14], [sflag:$0x3] =	stream.indirect_vreg.gather [hbm4b:s5+s3], $0x80, v4, vm0, $0xb8;
	[tilespmem:$0x18400] =	vst v63  }
0x24a: {  	s17 =	simm.s32 $0x9400;
	v3 =	vadd.s32 v1, v3  }
0x24b: {  	[tilespmem:s17], [sflag:$0x3] =	stream.indirect_vreg.gather [hbm4b:s7+s3], $0x80, v4, vm0, $0xb8;
	[tilespmem:$0x18400] =	vst v63  }
0x24c: {  	s20 =	simm.s32 $0x9C00  }
0x24d: {  	[tilespmem:s20], [sflag:$0x3] =	stream.indirect_vreg.gather [hbm4b:s8+s3], $0x80, v4, vm0, $0xb8;
	[tilespmem:$0x18400] =	vst v63  }
0x24e: {  	s21 =	simm.s32 $0xA400  }
0x24f: {  	[tilespmem:s21], [sflag:$0x3] =	stream.indirect_vreg.gather [hbm4b:s1+s3], $0x80, v3, vm0, $0xb8;
	[tilespmem:$0x18400] =	vst v63  }
0x250: {  	s25 =	simm.s32 $0xAC00  }
0x251: {  	[tilespmem:s25], [sflag:$0x3] =	stream.indirect_vreg.gather [hbm4b:s5+s3], $0x80, v3, vm0, $0xb8;
	[tilespmem:$0x18400] =	vst v63  }
0x252: {  	s26 =	simm.s32 $0xB400  }
0x253: {  	[tilespmem:s26], [sflag:$0x3] =	stream.indirect_vreg.gather [hbm4b:s7+s3], $0x80, v3, vm0, $0xb8;
	[tilespmem:$0x18400] =	vst v63  }
0x254: {  	s29 =	simm.s32 $0xBC00  }
0x255: {  	[tilespmem:s29], [sflag:$0x3] =	stream.indirect_vreg.gather [hbm4b:s8+s3], $0x80, v3, vm0, $0xb8;
	[tilespmem:$0x18400] =	vst v63  }
0x256: {  	_ =	swait.ge [sflag:s28], $0x4000  }
0x257: {  	[sflag:s28] =	ssyncset.done $0x0  }
0x258: {  	s14 =	rddreg [dreg:$0x10];
	[sflag:s28] =	ssyncadd.s32 $0xFFFFC000  }
0x259: {  	[hbm4b:s14+s3] =	stream.linear.scatter [tilespmem:s4], [sflag:$0xB], $0x4000, $0x38;
	[tilespmem:$0x18400] =	vst v63  }
0x25a: {  	_ =	swait.ge [sflag:s12], $0x4000  }
0x25b: {  	[sflag:s12] =	ssyncset.done $0x0  }
0x25c: {  	[sflag:s12] =	ssyncadd.s32 $0xFFFFC000  }
0x25d: {  	v3 =	vld [tilespmem:$0x3F0];
	_ =	sdelay $0x4  }
0x25e: {  	v63 =	vshll.u32 v3, $0x3  }
0x25f: {  	v3 =	vand.u32 $0x7, v3;
	v4 =	vand.u32 $0xFFFFFFC0, v63  }
0x260: {  	v3 =	vor.u32 v3, v4  }
0x261: {  	v4 =	vperm.xlane v3, v0;
	_ =	sdelay $0x1  }
0x262: {  	v4 =	vadd.s32 v1, v4;
	_ =	sdelay $0x4  }
0x263: {  	[tilespmem:s11], [sflag:$0x4] =	stream.indirect_vreg.gather [hbm4b:s1+s3], $0x80, v4, vm0, $0xb8;
	[tilespmem:$0x18400] =	vst v63  }
0x264: {  	s17 =	simm.s32 $0xCC00;
	v3 =	vperm.xlane v3, v2  }
0x265: {  	[tilespmem:s17], [sflag:$0x4] =	stream.indirect_vreg.gather [hbm4b:s5+s3], $0x80, v4, vm0, $0xb8;
	[tilespmem:$0x18400] =	vst v63  }
0x266: {  	s20 =	simm.s32 $0xD400;
	v3 =	vadd.s32 v1, v3  }
0x267: {  	[tilespmem:s20], [sflag:$0x4] =	stream.indirect_vreg.gather [hbm4b:s7+s3], $0x80, v4, vm0, $0xb8;
	[tilespmem:$0x18400] =	vst v63  }
0x268: {  	s21 =	simm.s32 $0xDC00  }
0x269: {  	[tilespmem:s21], [sflag:$0x4] =	stream.indirect_vreg.gather [hbm4b:s8+s3], $0x80, v4, vm0, $0xb8;
	[tilespmem:$0x18400] =	vst v63  }
0x26a: {  	s25 =	simm.s32 $0xE400  }
0x26b: {  	[tilespmem:s25], [sflag:$0x4] =	stream.indirect_vreg.gather [hbm4b:s1+s3], $0x80, v3, vm0, $0xb8;
	[tilespmem:$0x18400] =	vst v63  }
0x26c: {  	s26 =	simm.s32 $0xEC00  }
0x26d: {  	[tilespmem:s26], [sflag:$0x4] =	stream.indirect_vreg.gather [hbm4b:s5+s3], $0x80, v3, vm0, $0xb8;
	[tilespmem:$0x18400] =	vst v63  }
0x26e: {  	s29 =	simm.s32 $0xF400  }
0x26f: {  	[tilespmem:s29], [sflag:$0x4] =	stream.indirect_vreg.gather [hbm4b:s7+s3], $0x80, v3, vm0, $0xb8;
	[tilespmem:$0x18400] =	vst v63  }
0x270: {  	s4 =	simm.s32 $0xFC00  }
0x271: {  	[tilespmem:s4], [sflag:$0x4] =	stream.indirect_vreg.gather [hbm4b:s8+s3], $0x80, v3, vm0, $0xb8;
	[tilespmem:$0x18400] =	vst v63  }
0x272: {  	_ =	swait.ge [sflag:s30], $0x4000  }
0x273: {  	[sflag:s30] =	ssyncset.done $0x0  }
0x274: {  	s14 =	rddreg [dreg:$0x11];
	[sflag:s30] =	ssyncadd.s32 $0xFFFFC000  }
0x275: {  	[hbm4b:s14+s3] =	stream.linear.scatter [tilespmem:s6], [sflag:$0xC], $0x4000, $0x38;
	[tilespmem:$0x18400] =	vst v63  }
0x276: {  	_ =	swait.ge [sflag:s16], $0x4000  }
0x277: {  	[sflag:s16] =	ssyncset.done $0x0  }
0x278: {  	s17 =	rddreg [dreg:$0x12];
	[sflag:s16] =	ssyncadd.s32 $0xFFFFC000  }
0x279: {  	[hbm4b:s17+s3] =	stream.linear.scatter [tilespmem:s2], [sflag:$0x7], $0x4000, $0x38;
	[tilespmem:$0x18400] =	vst v63  }
0x27a: {  	_ =	swait.ge [sflag:s15], $0x4000  }
0x27b: {  	[sflag:s15] =	ssyncset.done $0x0  }
0x27c: {  	s20 =	rddreg [dreg:$0x13];
	[sflag:s15] =	ssyncadd.s32 $0xFFFFC000  }
0x27d: {  	[hbm4b:s20+s3] =	stream.linear.scatter [tilespmem:s9], [sflag:$0x8], $0x4000, $0x38;
	[tilespmem:$0x18400] =	vst v63  }
0x27e: {  	_ =	swait.ge [sflag:s10], $0x4000  }
0x27f: {  	[sflag:s10] =	ssyncset.done $0x0  }
0x280: {  	s21 =	rddreg [dreg:$0x14];
	[sflag:s10] =	ssyncadd.s32 $0xFFFFC000  }
0x281: {  	[hbm4b:s21+s3] =	stream.linear.scatter [tilespmem:s13], [sflag:$0x9], $0x4000, $0x38;
	[tilespmem:$0x18400] =	vst v63  }
0x282: {  	_ =	swait.ge [sflag:s24], $0x4000  }
0x283: {  	[sflag:s24] =	ssyncset.done $0x0  }
0x284: {  	s25 =	rddreg [dreg:$0x15];
	[sflag:s24] =	ssyncadd.s32 $0xFFFFC000  }
0x285: {  	[hbm4b:s25+s3] =	stream.linear.scatter [tilespmem:s11], [sflag:$0xA], $0x4000, $0x38;
	[tilespmem:$0x18400] =	vst v63  }
0x286: {  	_ =	swait.ge [sflag:s19], $0x4000  }
0x287: {  	[sflag:s19] =	ssyncset.done $0x0  }
0x288: {  	[sflag:s19] =	ssyncadd.s32 $0xFFFFC000  }
0x289: {  	_ =	swait.ge [sflag:s31], $0x4000  }
0x28a: {  	[sflag:s31] =	ssyncset.done $0x0  }
0x28b: {  	[sflag:s31] =	ssyncadd.s32 $0xFFFFC000  }
0x28c: {  	_ =	swait.ge [sflag:s22], $0x4000  }
0x28d: {  	[sflag:s22] =	ssyncset.done $0x0  }
0x28e: {  	[sflag:s22] =	ssyncadd.s32 $0xFFFFC000  }
0x28f: {  	_ =	swait.ge [sflag:s23], $0x4000  }
0x290: {  	[sflag:s23] =	ssyncset.done $0x0  }
0x291: {  	[sflag:s23] =	ssyncadd.s32 $0xFFFFC000  }
0x292: {  	_ =	swait.ge [sflag:s18], $0x4000  }
0x293: {  	[sflag:s18] =	ssyncset.done $0x0  }
0x294: {  	[sflag:s18] =	ssyncadd.s32 $0xFFFFC000  }
0x295: {  	_ =	swait.ge [sflag:s12], $0x4000  }
0x296: {  	s26 =	rddreg [dreg:$0x17]  }
0x297: {  	s29 =	rddreg [dreg:$0x16];
	s2 =	sadd.s32 $0x1, s26  }
0x298: {  	p0 =	sne.s32 s2, s29  }
.Ltmp1:
0x299: {  	_ = 	snop;
	(pc) =	sbr.rel @p0 .LBB2_1-.Ltmp1, $3  }
0x29a: {  	_ =	sdelay $0x1  }
0x29b: {  	s14 =	simm.s32 $0x10C00;
	s21 =	simm.s32 $0x11400;
	[sflag:s12] =	ssyncset.done $0x0  }
0x29c: {  	s25 =	simm.s32 $0x11C00;
	[sflag:s12] =	ssyncadd.s32 $0xFFFFC000;
	s26 =	simm.s32 $0x12400  }
0x29d: {  	_ =	sfence.sel $0x180000  }
0x29e: {  	[bflag:$0x0] =	sbarrier.arrive $0xFFFF  }
0x29f: {  	_ =	strace $0x90000047  }
0x2a0: {  	s0 =	stileid.u32;
	[bflag:$0x2] =	sbarrier.arrive $0xFFFF  }
0x2a1: {  	p0 =	sne.s32 s0, $0x0;
	s0 =	rddreg [dreg:$0x3]  }
0x2a2: {  	s0 =	sadd.s32 @!p0 $0x100000, s0  }
0x2a3: {  	[sflag:s0] =	ssyncadd.tile.s32 @!p0 $0x1;
	_ =	shalt  }
.Lfunc_end2:
_tile_overlayer_lowered:
.L_overlay_start_2:
0x2a4: {  	(tag) =	ssettag $0x2  }
0x2a5: {  	s0 =	rddreg [dreg:$0x0];
	s2 =	stileid.u32  }
0x2a6: {  	s1 =	rddreg [dreg:$0x1];
	p0 =	sne.s32 s2, $0x0  }
0x2a7: {  	s3 =	rddreg [dreg:$0x2];
	[bflag:$0x3] =	sbarrier.arrive $0xFFFF;
	s2 =	simm.s32 @!p0 $0x1C0D  }
0x2a8: {  	[timem:s3], [sflag:s2] =	dma.local @!p0 [hbm:s0], s1  }
0x2a9: {  	s0 =	simm.s32 @!p0 $0xD  }
0x2aa: {  	_ =	swait.ge @!p0 [sflag:s0], s1  }
0x2ab: {  	s1 =	ssub.s32 @!p0 $0x0, s1;
	[sflag:s0] =	ssyncset.done @!p0 $0x0  }
0x2ac: {  	[sflag:s0] =	ssyncadd.s32 @!p0 s1  }
0x2ad: {  	[bflag:$0x3] =	sbarrier.arrive $0xFFFF  }
0x2ae: {  	_ =	shalt  }

</sc_bundles>
